<compile_context>
chip_gen: v7x
topology: tpu7x:2x2x1
jax: 0.10.2.dev20260603
libtpu: 0.0.44.dev20260713+nightly
codegen_flags: <defaults>
</compile_context>

<pallas_src>
import functools

import jax
import jax.numpy as jnp
from jax import lax
from jax.experimental import pallas as pl
from jax.experimental.pallas import tpu as pltpu
from jax.experimental.pallas import tpu_sc as plsc

_NUM_TOKENS = 32
_DIM = 768
_BATCH = 16384
_LANES = 16

_INFO = plsc.get_sparse_core_info()
_NC = _INFO.num_cores
_NS = _INFO.num_subcores
_NW = _NC * _NS
_BPW = _BATCH // _NW
_NGROUPS = _BPW // _LANES
_LAG = 16


def _body(tokens_hbm, idx_hbm, out_hbm, table_v, idx_v, st, si, sem):
    wid = lax.axis_index("s") * _NC + lax.axis_index("c")
    base = wid * _BPW

    tcopy = pltpu.async_copy(tokens_hbm, table_v, st)
    icopy = pltpu.async_copy(idx_hbm.at[pl.ds(base, _BPW)], idx_v, si)
    icopy.wait()
    tcopy.wait()

    def group(g, _):
        idxv = idx_v[pl.ds(g * _LANES, _LANES)]
        for r in range(_LANES):
            tok = idxv[r]
            pltpu.async_copy(
                table_v.at[tok], out_hbm.at[base + g * _LANES + r], sem)

        @pl.when(g >= _LAG)
        def _():
            pltpu.make_async_copy(
                table_v.at[pl.ds(0, _LANES)],
                out_hbm.at[pl.ds(0, _LANES)], sem).wait()

        return _

    lax.fori_loop(0, _NGROUPS, group, None)

    def drain(i, _):
        pltpu.make_async_copy(
            table_v.at[pl.ds(0, _LANES)],
            out_hbm.at[pl.ds(0, _LANES)], sem).wait()
        return _

    lax.fori_loop(0, _LAG, drain, None)


_lookup = functools.partial(
    pl.kernel,
    out_type=jax.ShapeDtypeStruct((_BATCH, _DIM), jnp.float32),
    mesh=plsc.VectorSubcoreMesh(core_axis_name="c", subcore_axis_name="s"),
    scratch_types=[
        pltpu.VMEM((_NUM_TOKENS, _DIM), jnp.float32),
        pltpu.VMEM((_BPW,), jnp.int32),
        pltpu.SemaphoreType.DMA,
        pltpu.SemaphoreType.DMA,
        pltpu.SemaphoreType.DMA,
    ],
)(_body)


@jax.jit
def kernel(tokens, indices):
    return _lookup(tokens, indices)

# --- scband reference (transcript-rebuilt; emitter-appended) ---
"""Pipeline reference for scband-style-tokens-46943992545304 (READ-ONLY COPY).

The authoritative reference and input builder live on the scoring server;
editing this copy changes nothing except your own understanding.
"""

import jax, jax.numpy as jnp
import numpy as np

NUM_TOKENS = 32
DIM = 768
BATCH = 16384

def setup_inputs(seed: int = 0) -> dict:
    key = jax.random.key(seed)
    k1, k2 = jax.random.split(key)
    # Learned parameter: style token table, init like nn.Parameter(randn * 0.02)
    tokens = jax.random.normal(k1, (NUM_TOKENS, DIM), dtype=jnp.float32) * 0.02
    # The torch forward draws random indices inside forward; for a deterministic
    # reference we materialize them in setup_inputs (equivalent distribution).
    indices = jax.random.randint(k2, (BATCH,), 0, NUM_TOKENS, dtype=jnp.int32)
    return {"tokens": tokens, "indices": indices}

def reference(tokens, indices):
    # Faithful translation of: indices = randint(0, num_tokens, (B,)); return self.tokens[indices]
    return jnp.take(tokens, indices, axis=0)

if __name__ == "__main__":
    import jax
    _d = setup_inputs()
    print(jax.jit(kernel)(*tuple(_d.values())))

</pallas_src>

<mosaic_0001>
#map = affine_map<(d0, d1) -> (0, 0)>
#map1 = affine_map<(d0, d1) -> (0)>
module attributes {stable_mosaic.version = 14 : i64} {
  func.func @_body(%arg0: i32, %arg1: i32, %arg2: memref<32x768xf32, #tpu.memory_space<hbm>>, %arg3: memref<16384xi32, #tpu.memory_space<hbm>>, %arg4: memref<16384x768xf32, #tpu.memory_space<hbm>>, %arg5: memref<32x768xf32, #tpu.memory_space<vmem>>, %arg6: memref<512xi32, #tpu.memory_space<vmem>>, %arg7: memref<!tpu.dma_semaphore, #tpu.memory_space<semaphore_mem>>, %arg8: memref<!tpu.dma_semaphore, #tpu.memory_space<semaphore_mem>>, %arg9: memref<!tpu.dma_semaphore, #tpu.memory_space<semaphore_mem>>) attributes {dimension_semantics = [#tpu.dimension_semantics<core_parallel>, #tpu.dimension_semantics<subcore_parallel>], iteration_bounds = array<i64: 2, 16>, scalar_prefetch = 0 : i64, scratch_operands = 5 : i64, tpu.core_type = #tpu.core_type<sc_vector_subcore>, window_params = [{transform_indices = #map}, {transform_indices = #map1}, {transform_indices = #map}]} {
    %mul3A = arith.constant 2 : i32
    %mul3A_0 = arith.muli %arg1, %mul3A : i32
    %add3A = arith.addi %mul3A_0, %arg0 : i32
    %mul3A_1 = arith.constant 512 : i32
    %mul3A_2 = arith.muli %add3A, %mul3A_1 : i32
    tpu.enqueue_dma source(%arg2 : memref<32x768xf32, #tpu.memory_space<hbm>>) target(%arg5 : memref<32x768xf32, #tpu.memory_space<vmem>>) target_semaphore(%arg7 : memref<!tpu.dma_semaphore, #tpu.memory_space<semaphore_mem>>)
    %dma_start3A = tpu.memref_slice %arg3[%mul3A_2] : memref<16384xi32, #tpu.memory_space<hbm>> -> memref<512xi32, #tpu.memory_space<hbm>>
    %dma_start3A_3 = tpu.memref_slice %arg3[%mul3A_2] : memref<16384xi32, #tpu.memory_space<hbm>> -> memref<512xi32, #tpu.memory_space<hbm>>
    tpu.enqueue_dma source(%dma_start3A_3 : memref<512xi32, #tpu.memory_space<hbm>>) target(%arg6 : memref<512xi32, #tpu.memory_space<vmem>>) target_semaphore(%arg8 : memref<!tpu.dma_semaphore, #tpu.memory_space<semaphore_mem>>)
    %dma_wait3A = tpu.memref_slice %arg3[%mul3A_2] : memref<16384xi32, #tpu.memory_space<hbm>> -> memref<512xi32, #tpu.memory_space<hbm>>
    %dma_wait3A_4 = tpu.memref_slice %arg3[%mul3A_2] : memref<16384xi32, #tpu.memory_space<hbm>> -> memref<512xi32, #tpu.memory_space<hbm>>
    tpu.wait_dma2 semaphore(%arg8 : memref<!tpu.dma_semaphore, #tpu.memory_space<semaphore_mem>>) src(%dma_wait3A_4 : memref<512xi32, #tpu.memory_space<hbm>>) dst(%arg6 : memref<512xi32, #tpu.memory_space<vmem>>)
    tpu.wait_dma2 semaphore(%arg7 : memref<!tpu.dma_semaphore, #tpu.memory_space<semaphore_mem>>) src(%arg2 : memref<32x768xf32, #tpu.memory_space<hbm>>) dst(%arg5 : memref<32x768xf32, #tpu.memory_space<vmem>>)
    %scan3A = arith.constant 0 : i32
    %scan3A_5 = arith.constant 32 : i32
    %scan3A_6 = arith.addi %scan3A, %scan3A_5 : i32
    %scan3A_7 = arith.constant 1 : i32
    scf.for %scan3A_14 = %scan3A to %scan3A_6 step %scan3A_7  : i32 {
      %mul3A_15 = arith.constant 16 : i32
      %mul3A_16 = arith.muli %scan3A_14, %mul3A_15 : i32
      %get3A = arith.index_cast %mul3A_16 : i32 to index
      %get3A_17 = tpu.vector_load %arg6[%get3A] {strides = array<i32>} : memref<512xi32, #tpu.memory_space<vmem>>, vector<16xi32>,
      %get3A_18 = vector.shape_cast %get3A_17 : vector<16xi32> to vector<16xi32>
      %slice3A = vector.extract_strided_slice %get3A_18 {offsets = [0], sizes = [1], strides = [1]} : vector<16xi32> to vector<1xi32>
      %squeeze3A = vector.extract %slice3A[0] : i32 from vector<1xi32>
      %mul3A_19 = arith.constant 16 : i32
      %mul3A_20 = arith.muli %scan3A_14, %mul3A_19 : i32
      %add3A_21 = arith.addi %mul3A_2, %mul3A_20 : i32
      %add3A_22 = arith.constant 0 : i32
      %add3A_23 = arith.addi %add3A_21, %add3A_22 : i32
      %dma_start3A_24 = arith.constant 0 : i32
      %dma_start3A_25 = tpu.memref_slice %arg5[%squeeze3A, %dma_start3A_24] : memref<32x768xf32, #tpu.memory_space<vmem>> -> memref<1x768xf32, #tpu.memory_space<vmem>>
      %dma_start3A_26 = tpu.memref_squeeze %dma_start3A_25 : memref<1x768xf32, #tpu.memory_space<vmem>> -> memref<768xf32, #tpu.memory_space<vmem>>
      %dma_start3A_27 = arith.constant 0 : i32
      %dma_start3A_28 = tpu.memref_slice %arg4[%add3A_23, %dma_start3A_27] : memref<16384x768xf32, #tpu.memory_space<hbm>> -> memref<1x768xf32, #tpu.memory_space<hbm>>
      %dma_start3A_29 = tpu.memref_squeeze %dma_start3A_28 : memref<1x768xf32, #tpu.memory_space<hbm>> -> memref<768xf32, #tpu.memory_space<hbm>>
      %dma_start3A_30 = arith.constant 0 : i32
      %dma_start3A_31 = tpu.memref_slice %arg4[%add3A_23, %dma_start3A_30] : memref<16384x768xf32, #tpu.memory_space<hbm>> -> memref<1x768xf32, #tpu.memory_space<hbm>>
      %dma_start3A_32 = tpu.memref_squeeze %dma_start3A_31 : memref<1x768xf32, #tpu.memory_space<hbm>> -> memref<768xf32, #tpu.memory_space<hbm>>
      %dma_start3A_33 = arith.constant 0 : i32
      %dma_start3A_34 = tpu.memref_slice %arg5[%squeeze3A, %dma_start3A_33] : memref<32x768xf32, #tpu.memory_space<vmem>> -> memref<1x768xf32, #tpu.memory_space<vmem>>
      %dma_start3A_35 = tpu.memref_squeeze %dma_start3A_34 : memref<1x768xf32, #tpu.memory_space<vmem>> -> memref<768xf32, #tpu.memory_space<vmem>>
      tpu.enqueue_dma source(%dma_start3A_35 : memref<768xf32, #tpu.memory_space<vmem>>) target(%dma_start3A_32 : memref<768xf32, #tpu.memory_space<hbm>>) target_semaphore(%arg9 : memref<!tpu.dma_semaphore, #tpu.memory_space<semaphore_mem>>)
      %slice3A_36 = vector.extract_strided_slice %get3A_18 {offsets = [1], sizes = [1], strides = [1]} : vector<16xi32> to vector<1xi32>
      %squeeze3A_37 = vector.extract %slice3A_36[0] : i32 from vector<1xi32>
      %mul3A_38 = arith.constant 16 : i32
      %mul3A_39 = arith.muli %scan3A_14, %mul3A_38 : i32
      %add3A_40 = arith.addi %mul3A_2, %mul3A_39 : i32
      %add3A_41 = arith.constant 1 : i32
      %add3A_42 = arith.addi %add3A_40, %add3A_41 : i32
      %dma_start3A_43 = arith.constant 0 : i32
      %dma_start3A_44 = tpu.memref_slice %arg5[%squeeze3A_37, %dma_start3A_43] : memref<32x768xf32, #tpu.memory_space<vmem>> -> memref<1x768xf32, #tpu.memory_space<vmem>>
      %dma_start3A_45 = tpu.memref_squeeze %dma_start3A_44 : memref<1x768xf32, #tpu.memory_space<vmem>> -> memref<768xf32, #tpu.memory_space<vmem>>
      %dma_start3A_46 = arith.constant 0 : i32
      %dma_start3A_47 = tpu.memref_slice %arg4[%add3A_42, %dma_start3A_46] : memref<16384x768xf32, #tpu.memory_space<hbm>> -> memref<1x768xf32, #tpu.memory_space<hbm>>
      %dma_start3A_48 = tpu.memref_squeeze %dma_start3A_47 : memref<1x768xf32, #tpu.memory_space<hbm>> -> memref<768xf32, #tpu.memory_space<hbm>>
      %dma_start3A_49 = arith.constant 0 : i32
      %dma_start3A_50 = tpu.memref_slice %arg4[%add3A_42, %dma_start3A_49] : memref<16384x768xf32, #tpu.memory_space<hbm>> -> memref<1x768xf32, #tpu.memory_space<hbm>>
      %dma_start3A_51 = tpu.memref_squeeze %dma_start3A_50 : memref<1x768xf32, #tpu.memory_space<hbm>> -> memref<768xf32, #tpu.memory_space<hbm>>
      %dma_start3A_52 = arith.constant 0 : i32
      %dma_start3A_53 = tpu.memref_slice %arg5[%squeeze3A_37, %dma_start3A_52] : memref<32x768xf32, #tpu.memory_space<vmem>> -> memref<1x768xf32, #tpu.memory_space<vmem>>
      %dma_start3A_54 = tpu.memref_squeeze %dma_start3A_53 : memref<1x768xf32, #tpu.memory_space<vmem>> -> memref<768xf32, #tpu.memory_space<vmem>>
      tpu.enqueue_dma source(%dma_start3A_54 : memref<768xf32, #tpu.memory_space<vmem>>) target(%dma_start3A_51 : memref<768xf32, #tpu.memory_space<hbm>>) target_semaphore(%arg9 : memref<!tpu.dma_semaphore, #tpu.memory_space<semaphore_mem>>)
      %slice3A_55 = vector.extract_strided_slice %get3A_18 {offsets = [2], sizes = [1], strides = [1]} : vector<16xi32> to vector<1xi32>
      %squeeze3A_56 = vector.extract %slice3A_55[0] : i32 from vector<1xi32>
      %mul3A_57 = arith.constant 16 : i32
      %mul3A_58 = arith.muli %scan3A_14, %mul3A_57 : i32
      %add3A_59 = arith.addi %mul3A_2, %mul3A_58 : i32
      %add3A_60 = arith.constant 2 : i32
      %add3A_61 = arith.addi %add3A_59, %add3A_60 : i32
      %dma_start3A_62 = arith.constant 0 : i32
      %dma_start3A_63 = tpu.memref_slice %arg5[%squeeze3A_56, %dma_start3A_62] : memref<32x768xf32, #tpu.memory_space<vmem>> -> memref<1x768xf32, #tpu.memory_space<vmem>>
      %dma_start3A_64 = tpu.memref_squeeze %dma_start3A_63 : memref<1x768xf32, #tpu.memory_space<vmem>> -> memref<768xf32, #tpu.memory_space<vmem>>
      %dma_start3A_65 = arith.constant 0 : i32
      %dma_start3A_66 = tpu.memref_slice %arg4[%add3A_61, %dma_start3A_65] : memref<16384x768xf32, #tpu.memory_space<hbm>> -> memref<1x768xf32, #tpu.memory_space<hbm>>
      %dma_start3A_67 = tpu.memref_squeeze %dma_start3A_66 : memref<1x768xf32, #tpu.memory_space<hbm>> -> memref<768xf32, #tpu.memory_space<hbm>>
      %dma_start3A_68 = arith.constant 0 : i32
      %dma_start3A_69 = tpu.memref_slice %arg4[%add3A_61, %dma_start3A_68] : memref<16384x768xf32, #tpu.memory_space<hbm>> -> memref<1x768xf32, #tpu.memory_space<hbm>>
      %dma_start3A_70 = tpu.memref_squeeze %dma_start3A_69 : memref<1x768xf32, #tpu.memory_space<hbm>> -> memref<768xf32, #tpu.memory_space<hbm>>
      %dma_start3A_71 = arith.constant 0 : i32
      %dma_start3A_72 = tpu.memref_slice %arg5[%squeeze3A_56, %dma_start3A_71] : memref<32x768xf32, #tpu.memory_space<vmem>> -> memref<1x768xf32, #tpu.memory_space<vmem>>
      %dma_start3A_73 = tpu.memref_squeeze %dma_start3A_72 : memref<1x768xf32, #tpu.memory_space<vmem>> -> memref<768xf32, #tpu.memory_space<vmem>>
      tpu.enqueue_dma source(%dma_start3A_73 : memref<768xf32, #tpu.memory_space<vmem>>) target(%dma_start3A_70 : memref<768xf32, #tpu.memory_space<hbm>>) target_semaphore(%arg9 : memref<!tpu.dma_semaphore, #tpu.memory_space<semaphore_mem>>)
      %slice3A_74 = vector.extract_strided_slice %get3A_18 {offsets = [3], sizes = [1], strides = [1]} : vector<16xi32> to vector<1xi32>
      %squeeze3A_75 = vector.extract %slice3A_74[0] : i32 from vector<1xi32>
      %mul3A_76 = arith.constant 16 : i32
      %mul3A_77 = arith.muli %scan3A_14, %mul3A_76 : i32
      %add3A_78 = arith.addi %mul3A_2, %mul3A_77 : i32
      %add3A_79 = arith.constant 3 : i32
      %add3A_80 = arith.addi %add3A_78, %add3A_79 : i32
      %dma_start3A_81 = arith.constant 0 : i32
      %dma_start3A_82 = tpu.memref_slice %arg5[%squeeze3A_75, %dma_start3A_81] : memref<32x768xf32, #tpu.memory_space<vmem>> -> memref<1x768xf32, #tpu.memory_space<vmem>>
      %dma_start3A_83 = tpu.memref_squeeze %dma_start3A_82 : memref<1x768xf32, #tpu.memory_space<vmem>> -> memref<768xf32, #tpu.memory_space<vmem>>
      %dma_start3A_84 = arith.constant 0 : i32
      %dma_start3A_85 = tpu.memref_slice %arg4[%add3A_80, %dma_start3A_84] : memref<16384x768xf32, #tpu.memory_space<hbm>> -> memref<1x768xf32, #tpu.memory_space<hbm>>
      %dma_start3A_86 = tpu.memref_squeeze %dma_start3A_85 : memref<1x768xf32, #tpu.memory_space<hbm>> -> memref<768xf32, #tpu.memory_space<hbm>>
      %dma_start3A_87 = arith.constant 0 : i32
      %dma_start3A_88 = tpu.memref_slice %arg4[%add3A_80, %dma_start3A_87] : memref<16384x768xf32, #tpu.memory_space<hbm>> -> memref<1x768xf32, #tpu.memory_space<hbm>>
      %dma_start3A_89 = tpu.memref_squeeze %dma_start3A_88 : memref<1x768xf32, #tpu.memory_space<hbm>> -> memref<768xf32, #tpu.memory_space<hbm>>
      %dma_start3A_90 = arith.constant 0 : i32
      %dma_start3A_91 = tpu.memref_slice %arg5[%squeeze3A_75, %dma_start3A_90] : memref<32x768xf32, #tpu.memory_space<vmem>> -> memref<1x768xf32, #tpu.memory_space<vmem>>
      %dma_start3A_92 = tpu.memref_squeeze %dma_start3A_91 : memref<1x768xf32, #tpu.memory_space<vmem>> -> memref<768xf32, #tpu.memory_space<vmem>>
      tpu.enqueue_dma source(%dma_start3A_92 : memref<768xf32, #tpu.memory_space<vmem>>) target(%dma_start3A_89 : memref<768xf32, #tpu.memory_space<hbm>>) target_semaphore(%arg9 : memref<!tpu.dma_semaphore, #tpu.memory_space<semaphore_mem>>)
      %slice3A_93 = vector.extract_strided_slice %get3A_18 {offsets = [4], sizes = [1], strides = [1]} : vector<16xi32> to vector<1xi32>
      %squeeze3A_94 = vector.extract %slice3A_93[0] : i32 from vector<1xi32>
      %mul3A_95 = arith.constant 16 : i32
      %mul3A_96 = arith.muli %scan3A_14, %mul3A_95 : i32
      %add3A_97 = arith.addi %mul3A_2, %mul3A_96 : i32
      %add3A_98 = arith.constant 4 : i32
      %add3A_99 = arith.addi %add3A_97, %add3A_98 : i32
      %dma_start3A_100 = arith.constant 0 : i32
      %dma_start3A_101 = tpu.memref_slice %arg5[%squeeze3A_94, %dma_start3A_100] : memref<32x768xf32, #tpu.memory_space<vmem>> -> memref<1x768xf32, #tpu.memory_space<vmem>>
      %dma_start3A_102 = tpu.memref_squeeze %dma_start3A_101 : memref<1x768xf32, #tpu.memory_space<vmem>> -> memref<768xf32, #tpu.memory_space<vmem>>
      %dma_start3A_103 = arith.constant 0 : i32
      %dma_start3A_104 = tpu.memref_slice %arg4[%add3A_99, %dma_start3A_103] : memref<16384x768xf32, #tpu.memory_space<hbm>> -> memref<1x768xf32, #tpu.memory_space<hbm>>
      %dma_start3A_105 = tpu.memref_squeeze %dma_start3A_104 : memref<1x768xf32, #tpu.memory_space<hbm>> -> memref<768xf32, #tpu.memory_space<hbm>>
      %dma_start3A_106 = arith.constant 0 : i32
      %dma_start3A_107 = tpu.memref_slice %arg4[%add3A_99, %dma_start3A_106] : memref<16384x768xf32, #tpu.memory_space<hbm>> -> memref<1x768xf32, #tpu.memory_space<hbm>>
      %dma_start3A_108 = tpu.memref_squeeze %dma_start3A_107 : memref<1x768xf32, #tpu.memory_space<hbm>> -> memref<768xf32, #tpu.memory_space<hbm>>
      %dma_start3A_109 = arith.constant 0 : i32
      %dma_start3A_110 = tpu.memref_slice %arg5[%squeeze3A_94, %dma_start3A_109] : memref<32x768xf32, #tpu.memory_space<vmem>> -> memref<1x768xf32, #tpu.memory_space<vmem>>
      %dma_start3A_111 = tpu.memref_squeeze %dma_start3A_110 : memref<1x768xf32, #tpu.memory_space<vmem>> -> memref<768xf32, #tpu.memory_space<vmem>>
      tpu.enqueue_dma source(%dma_start3A_111 : memref<768xf32, #tpu.memory_space<vmem>>) target(%dma_start3A_108 : memref<768xf32, #tpu.memory_space<hbm>>) target_semaphore(%arg9 : memref<!tpu.dma_semaphore, #tpu.memory_space<semaphore_mem>>)
      %slice3A_112 = vector.extract_strided_slice %get3A_18 {offsets = [5], sizes = [1], strides = [1]} : vector<16xi32> to vector<1xi32>
      %squeeze3A_113 = vector.extract %slice3A_112[0] : i32 from vector<1xi32>
      %mul3A_114 = arith.constant 16 : i32
      %mul3A_115 = arith.muli %scan3A_14, %mul3A_114 : i32
      %add3A_116 = arith.addi %mul3A_2, %mul3A_115 : i32
      %add3A_117 = arith.constant 5 : i32
      %add3A_118 = arith.addi %add3A_116, %add3A_117 : i32
      %dma_start3A_119 = arith.constant 0 : i32
      %dma_start3A_120 = tpu.memref_slice %arg5[%squeeze3A_113, %dma_start3A_119] : memref<32x768xf32, #tpu.memory_space<vmem>> -> memref<1x768xf32, #tpu.memory_space<vmem>>
      %dma_start3A_121 = tpu.memref_squeeze %dma_start3A_120 : memref<1x768xf32, #tpu.memory_space<vmem>> -> memref<768xf32, #tpu.memory_space<vmem>>
      %dma_start3A_122 = arith.constant 0 : i32
      %dma_start3A_123 = tpu.memref_slice %arg4[%add3A_118, %dma_start3A_122] : memref<16384x768xf32, #tpu.memory_space<hbm>> -> memref<1x768xf32, #tpu.memory_space<hbm>>
      %dma_start3A_124 = tpu.memref_squeeze %dma_start3A_123 : memref<1x768xf32, #tpu.memory_space<hbm>> -> memref<768xf32, #tpu.memory_space<hbm>>
      %dma_start3A_125 = arith.constant 0 : i32
      %dma_start3A_126 = tpu.memref_slice %arg4[%add3A_118, %dma_start3A_125] : memref<16384x768xf32, #tpu.memory_space<hbm>> -> memref<1x768xf32, #tpu.memory_space<hbm>>
      %dma_start3A_127 = tpu.memref_squeeze %dma_start3A_126 : memref<1x768xf32, #tpu.memory_space<hbm>> -> memref<768xf32, #tpu.memory_space<hbm>>
      %dma_start3A_128 = arith.constant 0 : i32
      %dma_start3A_129 = tpu.memref_slice %arg5[%squeeze3A_113, %dma_start3A_128] : memref<32x768xf32, #tpu.memory_space<vmem>> -> memref<1x768xf32, #tpu.memory_space<vmem>>
      %dma_start3A_130 = tpu.memref_squeeze %dma_start3A_129 : memref<1x768xf32, #tpu.memory_space<vmem>> -> memref<768xf32, #tpu.memory_space<vmem>>
      tpu.enqueue_dma source(%dma_start3A_130 : memref<768xf32, #tpu.memory_space<vmem>>) target(%dma_start3A_127 : memref<768xf32, #tpu.memory_space<hbm>>) target_semaphore(%arg9 : memref<!tpu.dma_semaphore, #tpu.memory_space<semaphore_mem>>)
      %slice3A_131 = vector.extract_strided_slice %get3A_18 {offsets = [6], sizes = [1], strides = [1]} : vector<16xi32> to vector<1xi32>
      %squeeze3A_132 = vector.extract %slice3A_131[0] : i32 from vector<1xi32>
      %mul3A_133 = arith.constant 16 : i32
      %mul3A_134 = arith.muli %scan3A_14, %mul3A_133 : i32
      %add3A_135 = arith.addi %mul3A_2, %mul3A_134 : i32
      %add3A_136 = arith.constant 6 : i32
      %add3A_137 = arith.addi %add3A_135, %add3A_136 : i32
      %dma_start3A_138 = arith.constant 0 : i32
      %dma_start3A_139 = tpu.memref_slice %arg5[%squeeze3A_132, %dma_start3A_138] : memref<32x768xf32, #tpu.memory_space<vmem>> -> memref<1x768xf32, #tpu.memory_space<vmem>>
      %dma_start3A_140 = tpu.memref_squeeze %dma_start3A_139 : memref<1x768xf32, #tpu.memory_space<vmem>> -> memref<768xf32, #tpu.memory_space<vmem>>
      %dma_start3A_141 = arith.constant 0 : i32
      %dma_start3A_142 = tpu.memref_slice %arg4[%add3A_137, %dma_start3A_141] : memref<16384x768xf32, #tpu.memory_space<hbm>> -> memref<1x768xf32, #tpu.memory_space<hbm>>
      %dma_start3A_143 = tpu.memref_squeeze %dma_start3A_142 : memref<1x768xf32, #tpu.memory_space<hbm>> -> memref<768xf32, #tpu.memory_space<hbm>>
      %dma_start3A_144 = arith.constant 0 : i32
      %dma_start3A_145 = tpu.memref_slice %arg4[%add3A_137, %dma_start3A_144] : memref<16384x768xf32, #tpu.memory_space<hbm>> -> memref<1x768xf32, #tpu.memory_space<hbm>>
      %dma_start3A_146 = tpu.memref_squeeze %dma_start3A_145 : memref<1x768xf32, #tpu.memory_space<hbm>> -> memref<768xf32, #tpu.memory_space<hbm>>
      %dma_start3A_147 = arith.constant 0 : i32
      %dma_start3A_148 = tpu.memref_slice %arg5[%squeeze3A_132, %dma_start3A_147] : memref<32x768xf32, #tpu.memory_space<vmem>> -> memref<1x768xf32, #tpu.memory_space<vmem>>
      %dma_start3A_149 = tpu.memref_squeeze %dma_start3A_148 : memref<1x768xf32, #tpu.memory_space<vmem>> -> memref<768xf32, #tpu.memory_space<vmem>>
      tpu.enqueue_dma source(%dma_start3A_149 : memref<768xf32, #tpu.memory_space<vmem>>) target(%dma_start3A_146 : memref<768xf32, #tpu.memory_space<hbm>>) target_semaphore(%arg9 : memref<!tpu.dma_semaphore, #tpu.memory_space<semaphore_mem>>)
      %slice3A_150 = vector.extract_strided_slice %get3A_18 {offsets = [7], sizes = [1], strides = [1]} : vector<16xi32> to vector<1xi32>
      %squeeze3A_151 = vector.extract %slice3A_150[0] : i32 from vector<1xi32>
      %mul3A_152 = arith.constant 16 : i32
      %mul3A_153 = arith.muli %scan3A_14, %mul3A_152 : i32
      %add3A_154 = arith.addi %mul3A_2, %mul3A_153 : i32
      %add3A_155 = arith.constant 7 : i32
      %add3A_156 = arith.addi %add3A_154, %add3A_155 : i32
      %dma_start3A_157 = arith.constant 0 : i32
      %dma_start3A_158 = tpu.memref_slice %arg5[%squeeze3A_151, %dma_start3A_157] : memref<32x768xf32, #tpu.memory_space<vmem>> -> memref<1x768xf32, #tpu.memory_space<vmem>>
      %dma_start3A_159 = tpu.memref_squeeze %dma_start3A_158 : memref<1x768xf32, #tpu.memory_space<vmem>> -> memref<768xf32, #tpu.memory_space<vmem>>
      %dma_start3A_160 = arith.constant 0 : i32
      %dma_start3A_161 = tpu.memref_slice %arg4[%add3A_156, %dma_start3A_160] : memref<16384x768xf32, #tpu.memory_space<hbm>> -> memref<1x768xf32, #tpu.memory_space<hbm>>
      %dma_start3A_162 = tpu.memref_squeeze %dma_start3A_161 : memref<1x768xf32, #tpu.memory_space<hbm>> -> memref<768xf32, #tpu.memory_space<hbm>>
      %dma_start3A_163 = arith.constant 0 : i32
      %dma_start3A_164 = tpu.memref_slice %arg4[%add3A_156, %dma_start3A_163] : memref<16384x768xf32, #tpu.memory_space<hbm>> -> memref<1x768xf32, #tpu.memory_space<hbm>>
      %dma_start3A_165 = tpu.memref_squeeze %dma_start3A_164 : memref<1x768xf32, #tpu.memory_space<hbm>> -> memref<768xf32, #tpu.memory_space<hbm>>
      %dma_start3A_166 = arith.constant 0 : i32
      %dma_start3A_167 = tpu.memref_slice %arg5[%squeeze3A_151, %dma_start3A_166] : memref<32x768xf32, #tpu.memory_space<vmem>> -> memref<1x768xf32, #tpu.memory_space<vmem>>
      %dma_start3A_168 = tpu.memref_squeeze %dma_start3A_167 : memref<1x768xf32, #tpu.memory_space<vmem>> -> memref<768xf32, #tpu.memory_space<vmem>>
      tpu.enqueue_dma source(%dma_start3A_168 : memref<768xf32, #tpu.memory_space<vmem>>) target(%dma_start3A_165 : memref<768xf32, #tpu.memory_space<hbm>>) target_semaphore(%arg9 : memref<!tpu.dma_semaphore, #tpu.memory_space<semaphore_mem>>)
      %slice3A_169 = vector.extract_strided_slice %get3A_18 {offsets = [8], sizes = [1], strides = [1]} : vector<16xi32> to vector<1xi32>
      %squeeze3A_170 = vector.extract %slice3A_169[0] : i32 from vector<1xi32>
      %mul3A_171 = arith.constant 16 : i32
      %mul3A_172 = arith.muli %scan3A_14, %mul3A_171 : i32
      %add3A_173 = arith.addi %mul3A_2, %mul3A_172 : i32
      %add3A_174 = arith.constant 8 : i32
      %add3A_175 = arith.addi %add3A_173, %add3A_174 : i32
      %dma_start3A_176 = arith.constant 0 : i32
      %dma_start3A_177 = tpu.memref_slice %arg5[%squeeze3A_170, %dma_start3A_176] : memref<32x768xf32, #tpu.memory_space<vmem>> -> memref<1x768xf32, #tpu.memory_space<vmem>>
      %dma_start3A_178 = tpu.memref_squeeze %dma_start3A_177 : memref<1x768xf32, #tpu.memory_space<vmem>> -> memref<768xf32, #tpu.memory_space<vmem>>
      %dma_start3A_179 = arith.constant 0 : i32
      %dma_start3A_180 = tpu.memref_slice %arg4[%add3A_175, %dma_start3A_179] : memref<16384x768xf32, #tpu.memory_space<hbm>> -> memref<1x768xf32, #tpu.memory_space<hbm>>
      %dma_start3A_181 = tpu.memref_squeeze %dma_start3A_180 : memref<1x768xf32, #tpu.memory_space<hbm>> -> memref<768xf32, #tpu.memory_space<hbm>>
      %dma_start3A_182 = arith.constant 0 : i32
      %dma_start3A_183 = tpu.memref_slice %arg4[%add3A_175, %dma_start3A_182] : memref<16384x768xf32, #tpu.memory_space<hbm>> -> memref<1x768xf32, #tpu.memory_space<hbm>>
      %dma_start3A_184 = tpu.memref_squeeze %dma_start3A_183 : memref<1x768xf32, #tpu.memory_space<hbm>> -> memref<768xf32, #tpu.memory_space<hbm>>
      %dma_start3A_185 = arith.constant 0 : i32
      %dma_start3A_186 = tpu.memref_slice %arg5[%squeeze3A_170, %dma_start3A_185] : memref<32x768xf32, #tpu.memory_space<vmem>> -> memref<1x768xf32, #tpu.memory_space<vmem>>
      %dma_start3A_187 = tpu.memref_squeeze %dma_start3A_186 : memref<1x768xf32, #tpu.memory_space<vmem>> -> memref<768xf32, #tpu.memory_space<vmem>>
      tpu.enqueue_dma source(%dma_start3A_187 : memref<768xf32, #tpu.memory_space<vmem>>) target(%dma_start3A_184 : memref<768xf32, #tpu.memory_space<hbm>>) target_semaphore(%arg9 : memref<!tpu.dma_semaphore, #tpu.memory_space<semaphore_mem>>)
      %slice3A_188 = vector.extract_strided_slice %get3A_18 {offsets = [9], sizes = [1], strides = [1]} : vector<16xi32> to vector<1xi32>
      %squeeze3A_189 = vector.extract %slice3A_188[0] : i32 from vector<1xi32>
      %mul3A_190 = arith.constant 16 : i32
      %mul3A_191 = arith.muli %scan3A_14, %mul3A_190 : i32
      %add3A_192 = arith.addi %mul3A_2, %mul3A_191 : i32
      %add3A_193 = arith.constant 9 : i32
      %add3A_194 = arith.addi %add3A_192, %add3A_193 : i32
      %dma_start3A_195 = arith.constant 0 : i32
      %dma_start3A_196 = tpu.memref_slice %arg5[%squeeze3A_189, %dma_start3A_195] : memref<32x768xf32, #tpu.memory_space<vmem>> -> memref<1x768xf32, #tpu.memory_space<vmem>>
      %dma_start3A_197 = tpu.memref_squeeze %dma_start3A_196 : memref<1x768xf32, #tpu.memory_space<vmem>> -> memref<768xf32, #tpu.memory_space<vmem>>
      %dma_start3A_198 = arith.constant 0 : i32
      %dma_start3A_199 = tpu.memref_slice %arg4[%add3A_194, %dma_start3A_198] : memref<16384x768xf32, #tpu.memory_space<hbm>> -> memref<1x768xf32, #tpu.memory_space<hbm>>
      %dma_start3A_200 = tpu.memref_squeeze %dma_start3A_199 : memref<1x768xf32, #tpu.memory_space<hbm>> -> memref<768xf32, #tpu.memory_space<hbm>>
      %dma_start3A_201 = arith.constant 0 : i32
      %dma_start3A_202 = tpu.memref_slice %arg4[%add3A_194, %dma_start3A_201] : memref<16384x768xf32, #tpu.memory_space<hbm>> -> memref<1x768xf32, #tpu.memory_space<hbm>>
      %dma_start3A_203 = tpu.memref_squeeze %dma_start3A_202 : memref<1x768xf32, #tpu.memory_space<hbm>> -> memref<768xf32, #tpu.memory_space<hbm>>
      %dma_start3A_204 = arith.constant 0 : i32
      %dma_start3A_205 = tpu.memref_slice %arg5[%squeeze3A_189, %dma_start3A_204] : memref<32x768xf32, #tpu.memory_space<vmem>> -> memref<1x768xf32, #tpu.memory_space<vmem>>
      %dma_start3A_206 = tpu.memref_squeeze %dma_start3A_205 : memref<1x768xf32, #tpu.memory_space<vmem>> -> memref<768xf32, #tpu.memory_space<vmem>>
      tpu.enqueue_dma source(%dma_start3A_206 : memref<768xf32, #tpu.memory_space<vmem>>) target(%dma_start3A_203 : memref<768xf32, #tpu.memory_space<hbm>>) target_semaphore(%arg9 : memref<!tpu.dma_semaphore, #tpu.memory_space<semaphore_mem>>)
      %slice3A_207 = vector.extract_strided_slice %get3A_18 {offsets = [10], sizes = [1], strides = [1]} : vector<16xi32> to vector<1xi32>
      %squeeze3A_208 = vector.extract %slice3A_207[0] : i32 from vector<1xi32>
      %mul3A_209 = arith.constant 16 : i32
      %mul3A_210 = arith.muli %scan3A_14, %mul3A_209 : i32
      %add3A_211 = arith.addi %mul3A_2, %mul3A_210 : i32
      %add3A_212 = arith.constant 10 : i32
      %add3A_213 = arith.addi %add3A_211, %add3A_212 : i32
      %dma_start3A_214 = arith.constant 0 : i32
      %dma_start3A_215 = tpu.memref_slice %arg5[%squeeze3A_208, %dma_start3A_214] : memref<32x768xf32, #tpu.memory_space<vmem>> -> memref<1x768xf32, #tpu.memory_space<vmem>>
      %dma_start3A_216 = tpu.memref_squeeze %dma_start3A_215 : memref<1x768xf32, #tpu.memory_space<vmem>> -> memref<768xf32, #tpu.memory_space<vmem>>
      %dma_start3A_217 = arith.constant 0 : i32
      %dma_start3A_218 = tpu.memref_slice %arg4[%add3A_213, %dma_start3A_217] : memref<16384x768xf32, #tpu.memory_space<hbm>> -> memref<1x768xf32, #tpu.memory_space<hbm>>
      %dma_start3A_219 = tpu.memref_squeeze %dma_start3A_218 : memref<1x768xf32, #tpu.memory_space<hbm>> -> memref<768xf32, #tpu.memory_space<hbm>>
      %dma_start3A_220 = arith.constant 0 : i32
      %dma_start3A_221 = tpu.memref_slice %arg4[%add3A_213, %dma_start3A_220] : memref<16384x768xf32, #tpu.memory_space<hbm>> -> memref<1x768xf32, #tpu.memory_space<hbm>>
      %dma_start3A_222 = tpu.memref_squeeze %dma_start3A_221 : memref<1x768xf32, #tpu.memory_space<hbm>> -> memref<768xf32, #tpu.memory_space<hbm>>
      %dma_start3A_223 = arith.constant 0 : i32
      %dma_start3A_224 = tpu.memref_slice %arg5[%squeeze3A_208, %dma_start3A_223] : memref<32x768xf32, #tpu.memory_space<vmem>> -> memref<1x768xf32, #tpu.memory_space<vmem>>
      %dma_start3A_225 = tpu.memref_squeeze %dma_start3A_224 : memref<1x768xf32, #tpu.memory_space<vmem>> -> memref<768xf32, #tpu.memory_space<vmem>>
      tpu.enqueue_dma source(%dma_start3A_225 : memref<768xf32, #tpu.memory_space<vmem>>) target(%dma_start3A_222 : memref<768xf32, #tpu.memory_space<hbm>>) target_semaphore(%arg9 : memref<!tpu.dma_semaphore, #tpu.memory_space<semaphore_mem>>)
      %slice3A_226 = vector.extract_strided_slice %get3A_18 {offsets = [11], sizes = [1], strides = [1]} : vector<16xi32> to vector<1xi32>
      %squeeze3A_227 = vector.extract %slice3A_226[0] : i32 from vector<1xi32>
      %mul3A_228 = arith.constant 16 : i32
      %mul3A_229 = arith.muli %scan3A_14, %mul3A_228 : i32
      %add3A_230 = arith.addi %mul3A_2, %mul3A_229 : i32
      %add3A_231 = arith.constant 11 : i32
      %add3A_232 = arith.addi %add3A_230, %add3A_231 : i32
      %dma_start3A_233 = arith.constant 0 : i32
      %dma_start3A_234 = tpu.memref_slice %arg5[%squeeze3A_227, %dma_start3A_233] : memref<32x768xf32, #tpu.memory_space<vmem>> -> memref<1x768xf32, #tpu.memory_space<vmem>>
      %dma_start3A_235 = tpu.memref_squeeze %dma_start3A_234 : memref<1x768xf32, #tpu.memory_space<vmem>> -> memref<768xf32, #tpu.memory_space<vmem>>
      %dma_start3A_236 = arith.constant 0 : i32
      %dma_start3A_237 = tpu.memref_slice %arg4[%add3A_232, %dma_start3A_236] : memref<16384x768xf32, #tpu.memory_space<hbm>> -> memref<1x768xf32, #tpu.memory_space<hbm>>
      %dma_start3A_238 = tpu.memref_squeeze %dma_start3A_237 : memref<1x768xf32, #tpu.memory_space<hbm>> -> memref<768xf32, #tpu.memory_space<hbm>>
      %dma_start3A_239 = arith.constant 0 : i32
      %dma_start3A_240 = tpu.memref_slice %arg4[%add3A_232, %dma_start3A_239] : memref<16384x768xf32, #tpu.memory_space<hbm>> -> memref<1x768xf32, #tpu.memory_space<hbm>>
      %dma_start3A_241 = tpu.memref_squeeze %dma_start3A_240 : memref<1x768xf32, #tpu.memory_space<hbm>> -> memref<768xf32, #tpu.memory_space<hbm>>
      %dma_start3A_242 = arith.constant 0 : i32
      %dma_start3A_243 = tpu.memref_slice %arg5[%squeeze3A_227, %dma_start3A_242] : memref<32x768xf32, #tpu.memory_space<vmem>> -> memref<1x768xf32, #tpu.memory_space<vmem>>
      %dma_start3A_244 = tpu.memref_squeeze %dma_start3A_243 : memref<1x768xf32, #tpu.memory_space<vmem>> -> memref<768xf32, #tpu.memory_space<vmem>>
      tpu.enqueue_dma source(%dma_start3A_244 : memref<768xf32, #tpu.memory_space<vmem>>) target(%dma_start3A_241 : memref<768xf32, #tpu.memory_space<hbm>>) target_semaphore(%arg9 : memref<!tpu.dma_semaphore, #tpu.memory_space<semaphore_mem>>)
      %slice3A_245 = vector.extract_strided_slice %get3A_18 {offsets = [12], sizes = [1], strides = [1]} : vector<16xi32> to vector<1xi32>
      %squeeze3A_246 = vector.extract %slice3A_245[0] : i32 from vector<1xi32>
      %mul3A_247 = arith.constant 16 : i32
      %mul3A_248 = arith.muli %scan3A_14, %mul3A_247 : i32
      %add3A_249 = arith.addi %mul3A_2, %mul3A_248 : i32
      %add3A_250 = arith.constant 12 : i32
      %add3A_251 = arith.addi %add3A_249, %add3A_250 : i32
      %dma_start3A_252 = arith.constant 0 : i32
      %dma_start3A_253 = tpu.memref_slice %arg5[%squeeze3A_246, %dma_start3A_252] : memref<32x768xf32, #tpu.memory_space<vmem>> -> memref<1x768xf32, #tpu.memory_space<vmem>>
      %dma_start3A_254 = tpu.memref_squeeze %dma_start3A_253 : memref<1x768xf32, #tpu.memory_space<vmem>> -> memref<768xf32, #tpu.memory_space<vmem>>
      %dma_start3A_255 = arith.constant 0 : i32
      %dma_start3A_256 = tpu.memref_slice %arg4[%add3A_251, %dma_start3A_255] : memref<16384x768xf32, #tpu.memory_space<hbm>> -> memref<1x768xf32, #tpu.memory_space<hbm>>
      %dma_start3A_257 = tpu.memref_squeeze %dma_start3A_256 : memref<1x768xf32, #tpu.memory_space<hbm>> -> memref<768xf32, #tpu.memory_space<hbm>>
      %dma_start3A_258 = arith.constant 0 : i32
      %dma_start3A_259 = tpu.memref_slice %arg4[%add3A_251, %dma_start3A_258] : memref<16384x768xf32, #tpu.memory_space<hbm>> -> memref<1x768xf32, #tpu.memory_space<hbm>>
      %dma_start3A_260 = tpu.memref_squeeze %dma_start3A_259 : memref<1x768xf32, #tpu.memory_space<hbm>> -> memref<768xf32, #tpu.memory_space<hbm>>
      %dma_start3A_261 = arith.constant 0 : i32
      %dma_start3A_262 = tpu.memref_slice %arg5[%squeeze3A_246, %dma_start3A_261] : memref<32x768xf32, #tpu.memory_space<vmem>> -> memref<1x768xf32, #tpu.memory_space<vmem>>
      %dma_start3A_263 = tpu.memref_squeeze %dma_start3A_262 : memref<1x768xf32, #tpu.memory_space<vmem>> -> memref<768xf32, #tpu.memory_space<vmem>>
      tpu.enqueue_dma source(%dma_start3A_263 : memref<768xf32, #tpu.memory_space<vmem>>) target(%dma_start3A_260 : memref<768xf32, #tpu.memory_space<hbm>>) target_semaphore(%arg9 : memref<!tpu.dma_semaphore, #tpu.memory_space<semaphore_mem>>)
      %slice3A_264 = vector.extract_strided_slice %get3A_18 {offsets = [13], sizes = [1], strides = [1]} : vector<16xi32> to vector<1xi32>
      %squeeze3A_265 = vector.extract %slice3A_264[0] : i32 from vector<1xi32>
      %mul3A_266 = arith.constant 16 : i32
      %mul3A_267 = arith.muli %scan3A_14, %mul3A_266 : i32
      %add3A_268 = arith.addi %mul3A_2, %mul3A_267 : i32
      %add3A_269 = arith.constant 13 : i32
      %add3A_270 = arith.addi %add3A_268, %add3A_269 : i32
      %dma_start3A_271 = arith.constant 0 : i32
      %dma_start3A_272 = tpu.memref_slice %arg5[%squeeze3A_265, %dma_start3A_271] : memref<32x768xf32, #tpu.memory_space<vmem>> -> memref<1x768xf32, #tpu.memory_space<vmem>>
      %dma_start3A_273 = tpu.memref_squeeze %dma_start3A_272 : memref<1x768xf32, #tpu.memory_space<vmem>> -> memref<768xf32, #tpu.memory_space<vmem>>
      %dma_start3A_274 = arith.constant 0 : i32
      %dma_start3A_275 = tpu.memref_slice %arg4[%add3A_270, %dma_start3A_274] : memref<16384x768xf32, #tpu.memory_space<hbm>> -> memref<1x768xf32, #tpu.memory_space<hbm>>
      %dma_start3A_276 = tpu.memref_squeeze %dma_start3A_275 : memref<1x768xf32, #tpu.memory_space<hbm>> -> memref<768xf32, #tpu.memory_space<hbm>>
      %dma_start3A_277 = arith.constant 0 : i32
      %dma_start3A_278 = tpu.memref_slice %arg4[%add3A_270, %dma_start3A_277] : memref<16384x768xf32, #tpu.memory_space<hbm>> -> memref<1x768xf32, #tpu.memory_space<hbm>>
      %dma_start3A_279 = tpu.memref_squeeze %dma_start3A_278 : memref<1x768xf32, #tpu.memory_space<hbm>> -> memref<768xf32, #tpu.memory_space<hbm>>
      %dma_start3A_280 = arith.constant 0 : i32
      %dma_start3A_281 = tpu.memref_slice %arg5[%squeeze3A_265, %dma_start3A_280] : memref<32x768xf32, #tpu.memory_space<vmem>> -> memref<1x768xf32, #tpu.memory_space<vmem>>
      %dma_start3A_282 = tpu.memref_squeeze %dma_start3A_281 : memref<1x768xf32, #tpu.memory_space<vmem>> -> memref<768xf32, #tpu.memory_space<vmem>>
      tpu.enqueue_dma source(%dma_start3A_282 : memref<768xf32, #tpu.memory_space<vmem>>) target(%dma_start3A_279 : memref<768xf32, #tpu.memory_space<hbm>>) target_semaphore(%arg9 : memref<!tpu.dma_semaphore, #tpu.memory_space<semaphore_mem>>)
      %slice3A_283 = vector.extract_strided_slice %get3A_18 {offsets = [14], sizes = [1], strides = [1]} : vector<16xi32> to vector<1xi32>
      %squeeze3A_284 = vector.extract %slice3A_283[0] : i32 from vector<1xi32>
      %mul3A_285 = arith.constant 16 : i32
      %mul3A_286 = arith.muli %scan3A_14, %mul3A_285 : i32
      %add3A_287 = arith.addi %mul3A_2, %mul3A_286 : i32
      %add3A_288 = arith.constant 14 : i32
      %add3A_289 = arith.addi %add3A_287, %add3A_288 : i32
      %dma_start3A_290 = arith.constant 0 : i32
      %dma_start3A_291 = tpu.memref_slice %arg5[%squeeze3A_284, %dma_start3A_290] : memref<32x768xf32, #tpu.memory_space<vmem>> -> memref<1x768xf32, #tpu.memory_space<vmem>>
      %dma_start3A_292 = tpu.memref_squeeze %dma_start3A_291 : memref<1x768xf32, #tpu.memory_space<vmem>> -> memref<768xf32, #tpu.memory_space<vmem>>
      %dma_start3A_293 = arith.constant 0 : i32
      %dma_start3A_294 = tpu.memref_slice %arg4[%add3A_289, %dma_start3A_293] : memref<16384x768xf32, #tpu.memory_space<hbm>> -> memref<1x768xf32, #tpu.memory_space<hbm>>
      %dma_start3A_295 = tpu.memref_squeeze %dma_start3A_294 : memref<1x768xf32, #tpu.memory_space<hbm>> -> memref<768xf32, #tpu.memory_space<hbm>>
      %dma_start3A_296 = arith.constant 0 : i32
      %dma_start3A_297 = tpu.memref_slice %arg4[%add3A_289, %dma_start3A_296] : memref<16384x768xf32, #tpu.memory_space<hbm>> -> memref<1x768xf32, #tpu.memory_space<hbm>>
      %dma_start3A_298 = tpu.memref_squeeze %dma_start3A_297 : memref<1x768xf32, #tpu.memory_space<hbm>> -> memref<768xf32, #tpu.memory_space<hbm>>
      %dma_start3A_299 = arith.constant 0 : i32
      %dma_start3A_300 = tpu.memref_slice %arg5[%squeeze3A_284, %dma_start3A_299] : memref<32x768xf32, #tpu.memory_space<vmem>> -> memref<1x768xf32, #tpu.memory_space<vmem>>
      %dma_start3A_301 = tpu.memref_squeeze %dma_start3A_300 : memref<1x768xf32, #tpu.memory_space<vmem>> -> memref<768xf32, #tpu.memory_space<vmem>>
      tpu.enqueue_dma source(%dma_start3A_301 : memref<768xf32, #tpu.memory_space<vmem>>) target(%dma_start3A_298 : memref<768xf32, #tpu.memory_space<hbm>>) target_semaphore(%arg9 : memref<!tpu.dma_semaphore, #tpu.memory_space<semaphore_mem>>)
      %slice3A_302 = vector.extract_strided_slice %get3A_18 {offsets = [15], sizes = [1], strides = [1]} : vector<16xi32> to vector<1xi32>
      %squeeze3A_303 = vector.extract %slice3A_302[0] : i32 from vector<1xi32>
      %mul3A_304 = arith.constant 16 : i32
      %mul3A_305 = arith.muli %scan3A_14, %mul3A_304 : i32
      %add3A_306 = arith.addi %mul3A_2, %mul3A_305 : i32
      %add3A_307 = arith.constant 15 : i32
      %add3A_308 = arith.addi %add3A_306, %add3A_307 : i32
      %dma_start3A_309 = arith.constant 0 : i32
      %dma_start3A_310 = tpu.memref_slice %arg5[%squeeze3A_303, %dma_start3A_309] : memref<32x768xf32, #tpu.memory_space<vmem>> -> memref<1x768xf32, #tpu.memory_space<vmem>>
      %dma_start3A_311 = tpu.memref_squeeze %dma_start3A_310 : memref<1x768xf32, #tpu.memory_space<vmem>> -> memref<768xf32, #tpu.memory_space<vmem>>
      %dma_start3A_312 = arith.constant 0 : i32
      %dma_start3A_313 = tpu.memref_slice %arg4[%add3A_308, %dma_start3A_312] : memref<16384x768xf32, #tpu.memory_space<hbm>> -> memref<1x768xf32, #tpu.memory_space<hbm>>
      %dma_start3A_314 = tpu.memref_squeeze %dma_start3A_313 : memref<1x768xf32, #tpu.memory_space<hbm>> -> memref<768xf32, #tpu.memory_space<hbm>>
      %dma_start3A_315 = arith.constant 0 : i32
      %dma_start3A_316 = tpu.memref_slice %arg4[%add3A_308, %dma_start3A_315] : memref<16384x768xf32, #tpu.memory_space<hbm>> -> memref<1x768xf32, #tpu.memory_space<hbm>>
      %dma_start3A_317 = tpu.memref_squeeze %dma_start3A_316 : memref<1x768xf32, #tpu.memory_space<hbm>> -> memref<768xf32, #tpu.memory_space<hbm>>
      %dma_start3A_318 = arith.constant 0 : i32
      %dma_start3A_319 = tpu.memref_slice %arg5[%squeeze3A_303, %dma_start3A_318] : memref<32x768xf32, #tpu.memory_space<vmem>> -> memref<1x768xf32, #tpu.memory_space<vmem>>
      %dma_start3A_320 = tpu.memref_squeeze %dma_start3A_319 : memref<1x768xf32, #tpu.memory_space<vmem>> -> memref<768xf32, #tpu.memory_space<vmem>>
      tpu.enqueue_dma source(%dma_start3A_320 : memref<768xf32, #tpu.memory_space<vmem>>) target(%dma_start3A_317 : memref<768xf32, #tpu.memory_space<hbm>>) target_semaphore(%arg9 : memref<!tpu.dma_semaphore, #tpu.memory_space<semaphore_mem>>)
      %ge3A = arith.constant 16 : i32
      %ge3A_321 = arith.cmpi sge, %scan3A_14, %ge3A : i32
      %convert_element_type3A = arith.extui %ge3A_321 : i1 to i32
      %cond3A = arith.constant 0 : i32
      %cond3A_322 = arith.cmpi ne, %convert_element_type3A, %cond3A : i32
      scf.if %cond3A_322 {
        %dma_wait3A_323 = arith.constant 0 : i32
        %dma_wait3A_324 = arith.constant 0 : i32
        %dma_wait3A_325 = tpu.memref_slice %arg5[%dma_wait3A_323, %dma_wait3A_324] : memref<32x768xf32, #tpu.memory_space<vmem>> -> memref<16x768xf32, #tpu.memory_space<vmem>>
        %dma_wait3A_326 = arith.constant 0 : i32
        %dma_wait3A_327 = arith.constant 0 : i32
        %dma_wait3A_328 = tpu.memref_slice %arg4[%dma_wait3A_326, %dma_wait3A_327] : memref<16384x768xf32, #tpu.memory_space<hbm>> -> memref<16x768xf32, #tpu.memory_space<hbm>>
        %dma_wait3A_329 = arith.constant 0 : i32
        %dma_wait3A_330 = arith.constant 0 : i32
        %dma_wait3A_331 = tpu.memref_slice %arg4[%dma_wait3A_329, %dma_wait3A_330] : memref<16384x768xf32, #tpu.memory_space<hbm>> -> memref<16x768xf32, #tpu.memory_space<hbm>>
        %dma_wait3A_332 = arith.constant 0 : i32
        %dma_wait3A_333 = arith.constant 0 : i32
        %dma_wait3A_334 = tpu.memref_slice %arg5[%dma_wait3A_332, %dma_wait3A_333] : memref<32x768xf32, #tpu.memory_space<vmem>> -> memref<16x768xf32, #tpu.memory_space<vmem>>
        tpu.wait_dma2 semaphore(%arg9 : memref<!tpu.dma_semaphore, #tpu.memory_space<semaphore_mem>>) src(%dma_wait3A_334 : memref<16x768xf32, #tpu.memory_space<vmem>>) dst(%dma_wait3A_331 : memref<16x768xf32, #tpu.memory_space<hbm>>)
      } else {
      }
    }
    %scan3A_8 = arith.constant 32 : i32
    %scan3A_9 = arith.constant 0 : i32
    %scan3A_10 = arith.constant 16 : i32
    %scan3A_11 = arith.addi %scan3A_9, %scan3A_10 : i32
    %scan3A_12 = arith.constant 1 : i32
    scf.for %scan3A_14 = %scan3A_9 to %scan3A_11 step %scan3A_12  : i32 {
      %dma_wait3A_15 = arith.constant 0 : i32
      %dma_wait3A_16 = arith.constant 0 : i32
      %dma_wait3A_17 = tpu.memref_slice %arg5[%dma_wait3A_15, %dma_wait3A_16] : memref<32x768xf32, #tpu.memory_space<vmem>> -> memref<16x768xf32, #tpu.memory_space<vmem>>
      %dma_wait3A_18 = arith.constant 0 : i32
      %dma_wait3A_19 = arith.constant 0 : i32
      %dma_wait3A_20 = tpu.memref_slice %arg4[%dma_wait3A_18, %dma_wait3A_19] : memref<16384x768xf32, #tpu.memory_space<hbm>> -> memref<16x768xf32, #tpu.memory_space<hbm>>
      %dma_wait3A_21 = arith.constant 0 : i32
      %dma_wait3A_22 = arith.constant 0 : i32
      %dma_wait3A_23 = tpu.memref_slice %arg4[%dma_wait3A_21, %dma_wait3A_22] : memref<16384x768xf32, #tpu.memory_space<hbm>> -> memref<16x768xf32, #tpu.memory_space<hbm>>
      %dma_wait3A_24 = arith.constant 0 : i32
      %dma_wait3A_25 = arith.constant 0 : i32
      %dma_wait3A_26 = tpu.memref_slice %arg5[%dma_wait3A_24, %dma_wait3A_25] : memref<32x768xf32, #tpu.memory_space<vmem>> -> memref<16x768xf32, #tpu.memory_space<vmem>>
      tpu.wait_dma2 semaphore(%arg9 : memref<!tpu.dma_semaphore, #tpu.memory_space<semaphore_mem>>) src(%dma_wait3A_26 : memref<16x768xf32, #tpu.memory_space<vmem>>) dst(%dma_wait3A_23 : memref<16x768xf32, #tpu.memory_space<hbm>>)
    }
    %scan3A_13 = arith.constant 16 : i32
    return
  }
}

</mosaic_0001>

<sc_bundles>
// kernel: kernel.3.cloned.1.call-start
scs
__scs_entry_jumppad:
0x0: {  	(pc) =	sbr.rel $0x88, $3  }
0x1: {  	(tag) =	ssettag $0x0;
	lr =	simm.s32 $0x1  }
0x2: {  	[smem:$0x3F9F] =	sst lr;
	_ =	strace $0xD0000000  }
0x3: {  	_ = 	snop  }
0x4: {  	_ = 	snop  }
0x5: {  	_ = 	snop  }
0x6: {  	_ = 	snop  }
0x7: {  	_ = 	snop  }
__scs_overlays_trampoline_lowered:
0x8: {  	[smem:$0x3FAE] =	sst s0  }
0x9: {  	[smem:$0x3FAF] =	sst s1  }
0xa: {  	[smem:$0x3FB0] =	sst s2  }
0xb: {  	[smem:$0x3FB1] =	sst s3  }
0xc: {  	[smem:$0x3FB2] =	sst s4  }
0xd: {  	[smem:$0x3FB3] =	sst s5  }
0xe: {  	[smem:$0x3FB4] =	sst s6  }
0xf: {  	[smem:$0x3FB5] =	sst s7  }
0x10: {  	[smem:$0x3FB6] =	sst s8  }
0x11: {  	[smem:$0x3FB7] =	sst s9;
	s0 =	simm.s32 @!p0 $0x0  }
0x12: {  	s1 =	sld [smem:$0x3F9D];
	s0 =	simm.s32 @p0 $0x1  }
0x13: {  	[smem:$0x3FB8] =	sst s0;
	s0 =	simm.s32 @!p1 $0x0  }
0x14: {  	s2 =	sld [smem:$0x3F9C];
	s0 =	simm.s32 @p1 $0x1  }
0x15: {  	[smem:$0x3FB9] =	sst s0;
	s0 =	simm.s32 @!p2 $0x0  }
0x16: {  	s3 =	sld [smem:$0x3FDB];
	s0 =	simm.s32 @p2 $0x1  }
0x17: {  	s4 =	simm.s32 $0x1BF5;
	[smem:$0x3FBB] =	sst s0  }
0x18: {  	s0 =	sld [smem:$0x3F9E];
	_ =	swait.ge [sflag:s4], $0x0  }
0x19: {  	s7 =	sld [smem:$0x3F9F]  }
0x1a: {  	s8 =	sadd.s32 $0xFFFFE003, lr  }
0x1b: {  	s9 =	sadd.s32 $0xFFFFFEF7, lr;
	s5 =	simm.s32 $0xFFFFFFFF;
	p2 =	slt.u32 s8, $0xFFFFF086  }
0x1c: {  	p1 =	slt.u32 s9, $0xF7A;
	s5 =	simm.s32 @!p2 $0x0  }
0x1d: {  	s5 =	simm.s32 @p1 $0x1;
	p0 =	seq.s32 s7, s2  }
0x1e: {  	s7 =	smul.u32 @!p0 $0xF7A, s2;
	p2 =	seq.s32 @!p0 s5, $0x0  }
0x1f: {  	s9 =	smul.u32 $0xF7A, s1;
	s8 =	simm.s32 @!p0 $0x1BF5;
	p2 =	por !p2, p0  }
0x20: {  	[sflag:s8] =	ssyncset.s32 @!p0 $0xFFFFF086;
	s6 =	sadd.s32 @!p0 s3, s7;
	s7 =	simm.s32 @!p0 $0x108  }
0x21: {  	s3 =	sadd.s32 s3, s9;
	s6 =	sadd.s32 @!p0 $0x88, s6;
	s7 =	simm.s32 @p2 $0x1082  }
0x22: {  	[simem:s7], [sflag:s8] =	dma.local @!p0 [hbm:s6], $0xF7A  }
0x23: {  	s9 =	sor.u32 $0xD0000000, s2;
	s6 =	simm.s32 $0x108;
	_ =	swait.ge @!p0 [sflag:s8], $0x0  }
0x24: {  	s3 =	sadd.s32 $0x88, s3;
	s6 =	simm.s32 @!p1 $0x1082;
	[sflag:s4] =	ssyncset.s32 $0xFFFFF086  }
0x25: {  	[simem:s6], [sflag:s4] =	dma.local [hbm:s3], $0xF7A  }
0x26: {  	[smem:$0x3F9F] =	sst s1;
	(tag) =	ssettag s2;
	_ =	strace s9  }
0x27: {  	s1 =	sld [smem:$0x3FAF]  }
0x28: {  	s2 =	sld [smem:$0x3FB0]  }
0x29: {  	s4 =	sld [smem:$0x3FB2]  }
0x2a: {  	p0 =	seq.s32 s5, $0x0;
	s5 =	sld [smem:$0x3FB3]  }
0x2b: {  	s6 =	sld [smem:$0x3FB4]  }
0x2c: {  	s7 =	sld [smem:$0x3FB5]  }
0x2d: {  	s3 =	simm.s32 $0x108;
	s8 =	sld [smem:$0x3FB6]  }
0x2e: {  	s3 =	simm.s32 @!p0 $0x1082;
	s9 =	sld [smem:$0x3FB7]  }
0x2f: {  	lr =	sadd.s32 s0, s3;
	s0 =	sld [smem:$0x3FAE]  }
0x30: {  	s3 =	sld [smem:$0x3FB1]  }
0x31: {  	[smem:$0x3FBA] =	sst s10  }
0x32: {  	s10 =	sld [smem:$0x3FB8];
	_ =	sdelay $0x3  }
0x33: {  	p0 =	seq.s32 s10, $0x1;
	s10 =	sld [smem:$0x3FBA];
	_ =	sdelay $0x3  }
0x34: {  	[smem:$0x3FBA] =	sst s10  }
0x35: {  	s10 =	sld [smem:$0x3FB9];
	_ =	sdelay $0x3  }
0x36: {  	p1 =	seq.s32 s10, $0x1;
	s10 =	sld [smem:$0x3FBA];
	_ =	sdelay $0x3  }
0x37: {  	[smem:$0x3FBA] =	sst s10  }
0x38: {  	s10 =	sld [smem:$0x3FBB]  }
0x39: {  	_ = 	snop;
	(pc) =	sbr.ind lr, $3  }
0x3a: {  	_ = 	snop  }
0x3b: {  	_ = 	snop  }
0x3c: {  	p2 =	seq.s32 s10, $0x1;
	s10 =	sld [smem:$0x3FBA]  }
0x3d: {  	_ =	shalt  }
0x3e: {  	_ =	shalt  }
0x3f: {  	_ =	shalt  }
0x40: {  	_ =	shalt  }
0x41: {  	_ =	shalt  }
0x42: {  	_ =	shalt  }
0x43: {  	_ =	shalt  }
0x44: {  	_ =	shalt  }
0x45: {  	_ =	shalt  }
0x46: {  	_ =	shalt  }
0x47: {  	_ =	shalt  }
0x48: {  	_ =	shalt  }
0x49: {  	_ =	shalt  }
0x4a: {  	_ =	shalt  }
0x4b: {  	_ =	shalt  }
0x4c: {  	_ =	shalt  }
0x4d: {  	_ =	shalt  }
0x4e: {  	_ =	shalt  }
0x4f: {  	_ =	shalt  }
0x50: {  	_ =	shalt  }
0x51: {  	_ =	shalt  }
0x52: {  	_ =	shalt  }
0x53: {  	_ =	shalt  }
0x54: {  	_ =	shalt  }
0x55: {  	_ =	shalt  }
0x56: {  	_ =	shalt  }
0x57: {  	_ =	shalt  }
0x58: {  	_ =	shalt  }
0x59: {  	_ =	shalt  }
0x5a: {  	_ =	shalt  }
0x5b: {  	_ =	shalt  }
0x5c: {  	_ =	shalt  }
0x5d: {  	_ =	shalt  }
0x5e: {  	_ =	shalt  }
0x5f: {  	_ =	shalt  }
0x60: {  	_ =	shalt  }
0x61: {  	_ =	shalt  }
0x62: {  	_ =	shalt  }
0x63: {  	_ =	shalt  }
0x64: {  	_ =	shalt  }
0x65: {  	_ =	shalt  }
0x66: {  	_ =	shalt  }
0x67: {  	_ =	shalt  }
0x68: {  	_ =	shalt  }
0x69: {  	_ =	shalt  }
0x6a: {  	_ =	shalt  }
0x6b: {  	_ =	shalt  }
0x6c: {  	_ =	shalt  }
0x6d: {  	_ =	shalt  }
0x6e: {  	_ =	shalt  }
0x6f: {  	_ =	shalt  }
0x70: {  	_ =	shalt  }
0x71: {  	_ =	shalt  }
0x72: {  	_ =	shalt  }
0x73: {  	_ =	shalt  }
0x74: {  	_ =	shalt  }
0x75: {  	_ =	shalt  }
0x76: {  	_ =	shalt  }
0x77: {  	_ =	shalt  }
0x78: {  	_ =	shalt  }
0x79: {  	_ =	shalt  }
0x7a: {  	_ =	shalt  }
0x7b: {  	_ =	shalt  }
0x7c: {  	_ =	shalt  }
0x7d: {  	_ =	shalt  }
0x7e: {  	_ =	shalt  }
0x7f: {  	_ =	shalt  }
0x80: {  	_ =	shalt  }
0x81: {  	_ =	shalt  }
0x82: {  	_ =	shalt  }
0x83: {  	_ =	shalt  }
0x84: {  	_ =	shalt  }
0x85: {  	_ =	shalt  }
0x86: {  	_ =	shalt  }
0x87: {  	_ =	shalt  }
.Lfunc_end0:
.L_simem_size_0:
called_computation_lowered:
.L_overlay_start_0:
0x88: {  	s2 =	sld [smem:$0x3FD9]  }
0x89: {  	s3 =	sld [smem:$0x3FFE];
	_ =	sdelay $0x1  }
0x8a: {  	s1 =	srdreg.scid  }
0x8b: {  	s0 =	sand.u32 $0x1, s1  }
0x8c: {  	s18 =	sshll.u32 s0, $0xA;
	s2 =	sadd.s32 s3, s2  }
0x8d: {  	s2 =	sadd.s32 s2, s18  }
0x8e: {  	[smem:$0x3FC6] =	sst s2  }
0x8f: {  	_ = 	snop  }
0x90: {  	s2 =	sld [smem:$0x3FC9]  }
0x91: {  	s19 =	sld [smem:$0x3FC8]  }
0x92: {  	s4 =	sld [smem:$0x3FD0];
	(tm) =	ssettm $0x1  }
0x93: {  	s5 =	sld [smem:$0x3FFB];
	_ =	sdelay $0x3  }
0x94: {  	_ =	strace s5  }
0x95: {  	s5 =	sld [smem:$0x3FFC];
	_ =	sdelay $0x3  }
0x96: {  	_ =	strace s5  }
0x97: {  	s5 =	sld [smem:$0x3FFD];
	_ =	sdelay $0x3  }
0x98: {  	_ =	strace s5  }
0x99: {  	_ =	strace $0x8FFFFFFF  }
0x9a: {  	s20 =	sld [smem:$0x3FDB];
	_ =	sdelay $0x1  }
0x9b: {  	s6 =	simm.s32 $_scs_section_size  }
0x9c: {  	s7 =	simm.s32 $_size__tile_overlayer_lowered;
	s8 =	simm.s32 $_tile_overlayer_lowered  }
0x9d: {  	s23 =	simm.s32 $0x1BFF;
	s22 =	sshll.u32 s8, $0x1;
	s5 =	sadd.s32 s6, s20  }
0x9e: {  	s9 =	simm.s32 $0x0;
	s21 =	sshll.u32 s7, $0x1;
	s7 =	sadd.s32 s22, s5  }
0x9f: {  	[timem:s9], [sflag:s23] =	dma.local [hbm:s7], s21  }
0xa0: {  	_ =	swait.ge [sflag:s23], s21  }
0xa1: {  	s6 =	ssub.s32 $0x0, s21;
	[sflag:s23] =	ssyncset.done $0x0  }
0xa2: {  	[sflag:s23] =	ssyncadd.s32 s6;
	_ =	sdelay $0x1  }
0xa3: {  	s24 =	simm.s32 $0x1B8B  }
0xa4: {  	_ =	swait.ge [sflag:s24], $0x1  }
0xa5: {  	[sflag:s24] =	ssyncset.done $0x0  }
0xa6: {  	s25 =	simm.s32 $0x1B8E;
	[sflag:s24] =	ssyncadd.s32 $0xFFFFFFFF  }
0xa7: {  	s26 =	simm.s32 $execute0_lowered;
	[smem:$0x3FD2] =	sst s25  }
0xa8: {  	s6 =	sshll.u32 s26, $0x1;
	_ =	strace $0x80000046;
	[dreg:$0x1] =	wrdreg $0xFFFFFFFF  }
0xa9: {  	s28 =	simm.s32 $_size_execute0_lowered;
	s5 =	sadd.s32 s5, s6;
	[dreg:$0x0] =	wrdreg $0x0  }
0xaa: {  	s6 =	sshll.u32 s28, $0x1;
	[dreg:$0x2] =	wrdreg s5  }
0xab: {  	[dreg:$0x3] =	wrdreg s6  }
0xac: {  	[dreg:$0x4] =	wrdreg $0xC0  }
0xad: {  	_ =	task [dreg:s9], $0x5FFFF  }
0xae: {  	[dreg:$0x1] =	wrdreg $0xFFFFFFFF  }
0xaf: {  	[dreg:$0x0] =	wrdreg $0x60  }
0xb0: {  	[dreg:$0x2] =	wrdreg s2  }
0xb1: {  	[dreg:$0x3] =	wrdreg s19  }
0xb2: {  	[dreg:$0x4] =	wrdreg s4  }
0xb3: {  	[dreg:$0x5] =	wrdreg $0x9  }
0xb4: {  	_ =	task.clear_ibuf [dreg:s9], $0x6FFFF;
	_ =	strace $0x90000046  }
0xb5: {  	s29 =	simm.s32 $0x9;
	_ =	strace $0x80000048  }
0xb6: {  	_ =	swait.ge [sflag:s29], $0x1  }
0xb7: {  	[sflag:s29] =	ssyncadd.s32 $0xFFFFFFFF  }
0xb8: {  	_ =	strace $0x90000048  }
0xb9: {  	_ =	sfence  }
0xba: {  	s30 =	sld [smem:$0x0];
	_ =	sdelay $0x2  }
0xbb: {  	s31 =	sshll.u32 s1, $0xD;
	s1 =	sshrl.u32 s1, $0x2  }
0xbc: {  	s3 =	sand.u32 $0x4000, s31;
	s1 =	sadd.s32 s1, s30  }
0xbd: {  	s0 =	sor.u32 s3, s0;
	s1 =	sshll.u32 s1, $0x11  }
0xbe: {  	s0 =	sor.u32 s1, s0  }
0xbf: {  	s0 =	sadd.s32 $0x8F2B, s0  }
0xc0: {  	[sflag:s0] =	ssyncadd.remote.s32 $0x1  }
0xc1: {  	_ =	sfence.sel $0xFFFF  }
0xc2: {  	[dreg:$0x0] =	wrdreg $0xFFFFFFFF;
	(pc) =	sbr.abs _section_cstart, $3  }
0xc3: {  	[dreg:$0x1] =	wrdreg $0xFFFFFFFF  }
0xc4: {  	_ =	task.clear_ibuf [dreg:s9], $0x2FFFF;
	_ =	strace $0x9FFFFFFF  }
0xc5: {  	(tm) =	ssettm $0x7FFFFFFF  }
tec
execute0_lowered:
.L_overlay_start_1:
0x0: {  	(tag) =	ssettag $0x1  }
0x1: {  	s2 =	srdreg.scid;
	s1 =	rddreg [dreg:$0x0]  }
0x2: {  	s0 =	stileid.u32;
	s5 =	rddreg [dreg:$0x1];
	s4 =	sand.u32 $0x1, s2  }
0x3: {  	s6 =	rddreg [dreg:$0x2];
	s31 =	sshll.u32 s0, $0xA;
	s3 =	sshll.u32 s4, $0x9  }
0x4: {  	s2 =	rddreg [dreg:$0x3];
	s4 =	ssub.s32 $0x2, s4;
	s7 =	sor.u32 s3, s31  }
0x5: {  	s3 =	simm.s32 $0x0;
	s9 =	sshrl.u32 s4, $0x1;
	s7 =	sshrl.u32 s7, $0x3  }
0x6: {  	[smem:$0x7FF] =	sst s3;
	s9 =	ssub.s32 s4, s9;
	s8 =	smul.u32 $0x300, s7  }
0x7: {  	_ =	strace $0x80000047;
	s4 =	sadd.s32 s5, s7;
	s5 =	smax.u32 s9, $0x1  }
0x8: {  	s7 =	simm.s32 $0x1;
	s9 =	simm.s32 $0x0;
	s6 =	sadd.s32 s8, s6  }
0x9: {  	s8 =	simm.s32 $0x3;
	[dreg:$0x4] =	wrdreg s6;
	s6 =	simm.s32 $0x2  }
.LBB2_1:
0xa: {  	[tilespmem:s3], [sflag:$0x1] =	stream.linear.gather [hbm4b:s1+s3], $0x6000, $0x38;
	[tilespmem:$0x6200] =	vst v63  }
0xb: {  	s10 =	simm.s32 $0x6000  }
0xc: {  	[tilespmem:s10], [sflag:$0x2] =	stream.linear.gather [hbm4b:s4+s3], $0x200, $0x38;
	[tilespmem:$0x6200] =	vst v63  }
0xd: {  	_ =	swait.ge [sflag:s6], $0x200  }
0xe: {  	[sflag:s6] =	ssyncset.done $0x0  }
0xf: {  	[sflag:s6] =	ssyncadd.s32 $0xFFFFFE00  }
0x10: {  	_ =	swait.ge [sflag:s7], $0x6000  }
0x11: {  	[sflag:s7] =	ssyncset.done $0x0  }
0x12: {  	[sflag:s7] =	ssyncadd.s32 $0xFFFFA000  }
0x13: {  	v0 =	vld [tilespmem:s10+$0x0];
	_ =	sdelay $0x4  }
0x14: {  	(v2sf) =	vpush v0, $0x0;
	_ =	sdelay $0x4  }
0x15: {  	(v2sf) =	vpush v0, $0x1;
	_ =	sdelay $0x9  }
0x16: {  	s18 =	spop (v2sf)  }
0x17: {  	s11 =	sshrl.u32 s18, $0x3  }
0x18: {  	s11 =	smul.u32 $0x6000, s11  }
0x19: {  	s10 =	sshll.u32 s18, $0x7  }
0x1a: {  	s12 =	rddreg [dreg:$0x4];
	s13 =	sand.u32 $0x380, s10;
	s11 =	sshra.s32 s11, $0x2  }
0x1b: {  	s14 =	spop (v2sf);
	s10 =	sadd.s32 $0x0, s12;
	s11 =	sor.u32 s13, s11  }
0x1c: {  	(v2sf) =	vpush v0, $0x2;
	[hbm4b:s10+s3] =	stream.linear.scatter [tilespmem:s11], [sflag:$0x3], $0x80, $0x38;
	[tilespmem:$0x6200] =	vst v63  }
0x1d: {  	s19 =	sshrl.u32 s14, $0x3;
	s15 =	sadd.s32 $0x80, s10;
	s13 =	sor.u32 $0x400, s11  }
0x1e: {  	[hbm4b:s15+s3] =	stream.linear.scatter [tilespmem:s13], [sflag:$0x3], $0x80, $0x38;
	[tilespmem:$0x6200] =	vst v63  }
0x1f: {  	s20 =	sshll.u32 s14, $0x7;
	s22 =	sadd.s32 $0x100, s10;
	s21 =	sadd.s32 $0x800, s11  }
0x20: {  	[hbm4b:s22+s3] =	stream.linear.scatter [tilespmem:s21], [sflag:$0x3], $0x80, $0x38;
	[tilespmem:$0x6200] =	vst v63  }
0x21: {  	s12 =	smul.u32 $0x6000, s19;
	s24 =	sadd.s32 $0x180, s10;
	s23 =	sadd.s32 $0xC00, s11  }
0x22: {  	[hbm4b:s24+s3] =	stream.linear.scatter [tilespmem:s23], [sflag:$0x3], $0x80, $0x38;
	[tilespmem:$0x6200] =	vst v63  }
0x23: {  	s26 =	sadd.s32 $0x200, s10;
	s28 =	sadd.s32 $0x280, s10;
	s25 =	sadd.s32 $0x1000, s11  }
0x24: {  	(v2sf) =	vpush v0, $0x3;
	[hbm4b:s26+s3] =	stream.linear.scatter [tilespmem:s25], [sflag:$0x3], $0x80, $0x38;
	[tilespmem:$0x6200] =	vst v63  }
0x25: {  	s12 =	sshra.s32 s12, $0x2;
	s11 =	sadd.s32 $0x1400, s11;
	s13 =	sand.u32 $0x380, s20  }
0x26: {  	[hbm4b:s28+s3] =	stream.linear.scatter [tilespmem:s11], [sflag:$0x3], $0x80, $0x38;
	[tilespmem:$0x6200] =	vst v63  }
0x27: {  	s30 =	sadd.s32 $0x10, s10;
	s16 =	sadd.s32 $0x90, s10;
	s12 =	sor.u32 s13, s12  }
0x28: {  	[hbm4b:s30+s3] =	stream.linear.scatter [tilespmem:s12], [sflag:$0x3], $0x80, $0x38;
	[tilespmem:$0x6200] =	vst v63  }
0x29: {  	s18 =	sadd.s32 $0x110, s10;
	s20 =	sadd.s32 $0x190, s10;
	s15 =	sor.u32 $0x400, s12  }
0x2a: {  	[hbm4b:s16+s3] =	stream.linear.scatter [tilespmem:s15], [sflag:$0x3], $0x80, $0x38;
	[tilespmem:$0x6200] =	vst v63  }
0x2b: {  	s17 =	sadd.s32 $0x800, s12;
	s19 =	sadd.s32 $0xC00, s12;
	s29 =	spop (v2sf)  }
0x2c: {  	[hbm4b:s18+s3] =	stream.linear.scatter [tilespmem:s17], [sflag:$0x3], $0x80, $0x38;
	[tilespmem:$0x6200] =	vst v63  }
0x2d: {  	s21 =	sadd.s32 $0x1000, s12;
	s22 =	sadd.s32 $0x210, s10;
	s31 =	sshrl.u32 s29, $0x3  }
0x2e: {  	[hbm4b:s20+s3] =	stream.linear.scatter [tilespmem:s19], [sflag:$0x3], $0x80, $0x38;
	[tilespmem:$0x6200] =	vst v63  }
0x2f: {  	s23 =	sadd.s32 $0x290, s10;
	s11 =	sshll.u32 s29, $0x7;
	s13 =	smul.u32 $0x6000, s31  }
0x30: {  	(v2sf) =	vpush v0, $0x4;
	[hbm4b:s22+s3] =	stream.linear.scatter [tilespmem:s21], [sflag:$0x3], $0x80, $0x38;
	[tilespmem:$0x6200] =	vst v63  }
0x31: {  	s11 =	sand.u32 $0x380, s11;
	s12 =	sadd.s32 $0x1400, s12;
	s13 =	sshra.s32 s13, $0x2  }
0x32: {  	[hbm4b:s23+s3] =	stream.linear.scatter [tilespmem:s12], [sflag:$0x3], $0x80, $0x38;
	[tilespmem:$0x6200] =	vst v63  }
0x33: {  	s25 =	sadd.s32 $0x20, s10;
	s24 =	spop (v2sf);
	s11 =	sor.u32 s11, s13  }
0x34: {  	[hbm4b:s25+s3] =	stream.linear.scatter [tilespmem:s11], [sflag:$0x3], $0x80, $0x38;
	[tilespmem:$0x6200] =	vst v63  }
0x35: {  	s29 =	sadd.s32 $0xA0, s10;
	s26 =	sshrl.u32 s24, $0x3;
	s28 =	sor.u32 $0x400, s11  }
0x36: {  	[hbm4b:s29+s3] =	stream.linear.scatter [tilespmem:s28], [sflag:$0x3], $0x80, $0x38;
	[tilespmem:$0x6200] =	vst v63  }
0x37: {  	s31 =	sadd.s32 $0x120, s10;
	s13 =	smul.u32 $0x6000, s26;
	s30 =	sadd.s32 $0x800, s11  }
0x38: {  	[hbm4b:s31+s3] =	stream.linear.scatter [tilespmem:s30], [sflag:$0x3], $0x80, $0x38;
	[tilespmem:$0x6200] =	vst v63  }
0x39: {  	s16 =	sadd.s32 $0x1A0, s10;
	s15 =	sadd.s32 $0xC00, s11;
	s13 =	sshra.s32 s13, $0x2  }
0x3a: {  	[hbm4b:s16+s3] =	stream.linear.scatter [tilespmem:s15], [sflag:$0x3], $0x80, $0x38;
	[tilespmem:$0x6200] =	vst v63  }
0x3b: {  	s17 =	sadd.s32 $0x1000, s11;
	s18 =	sadd.s32 $0x220, s10;
	s12 =	sshll.u32 s24, $0x7  }
0x3c: {  	(v2sf) =	vpush v0, $0x5;
	[hbm4b:s18+s3] =	stream.linear.scatter [tilespmem:s17], [sflag:$0x3], $0x80, $0x38;
	[tilespmem:$0x6200] =	vst v63  }
0x3d: {  	s19 =	sadd.s32 $0x2A0, s10;
	s12 =	sand.u32 $0x380, s12;
	s11 =	sadd.s32 $0x1400, s11  }
0x3e: {  	[hbm4b:s19+s3] =	stream.linear.scatter [tilespmem:s11], [sflag:$0x3], $0x80, $0x38;
	[tilespmem:$0x6200] =	vst v63  }
0x3f: {  	s21 =	sadd.s32 $0x30, s10;
	s20 =	spop (v2sf);
	s12 =	sor.u32 s12, s13  }
0x40: {  	[hbm4b:s21+s3] =	stream.linear.scatter [tilespmem:s12], [sflag:$0x3], $0x80, $0x38;
	[tilespmem:$0x6200] =	vst v63  }
0x41: {  	s24 =	sadd.s32 $0xB0, s10;
	s22 =	sshrl.u32 s20, $0x3;
	s23 =	sor.u32 $0x400, s12  }
0x42: {  	[hbm4b:s24+s3] =	stream.linear.scatter [tilespmem:s23], [sflag:$0x3], $0x80, $0x38;
	[tilespmem:$0x6200] =	vst v63  }
0x43: {  	s26 =	sadd.s32 $0x130, s10;
	s25 =	sadd.s32 $0x800, s12;
	s13 =	smul.u32 $0x6000, s22  }
0x44: {  	[hbm4b:s26+s3] =	stream.linear.scatter [tilespmem:s25], [sflag:$0x3], $0x80, $0x38;
	[tilespmem:$0x6200] =	vst v63  }
0x45: {  	s28 =	sadd.s32 $0xC00, s12;
	s29 =	sadd.s32 $0x1B0, s10;
	s13 =	sshra.s32 s13, $0x2  }
0x46: {  	[hbm4b:s29+s3] =	stream.linear.scatter [tilespmem:s28], [sflag:$0x3], $0x80, $0x38;
	[tilespmem:$0x6200] =	vst v63  }
0x47: {  	s30 =	sadd.s32 $0x1000, s12;
	s31 =	sadd.s32 $0x230, s10;
	s11 =	sshll.u32 s20, $0x7  }
0x48: {  	(v2sf) =	vpush v0, $0x6;
	[hbm4b:s31+s3] =	stream.linear.scatter [tilespmem:s30], [sflag:$0x3], $0x80, $0x38;
	[tilespmem:$0x6200] =	vst v63  }
0x49: {  	s15 =	sadd.s32 $0x2B0, s10;
	s11 =	sand.u32 $0x380, s11;
	s12 =	sadd.s32 $0x1400, s12  }
0x4a: {  	[hbm4b:s15+s3] =	stream.linear.scatter [tilespmem:s12], [sflag:$0x3], $0x80, $0x38;
	[tilespmem:$0x6200] =	vst v63  }
0x4b: {  	s16 =	spop (v2sf);
	s17 =	sadd.s32 $0x40, s10;
	s11 =	sor.u32 s11, s13  }
0x4c: {  	[hbm4b:s17+s3] =	stream.linear.scatter [tilespmem:s11], [sflag:$0x3], $0x80, $0x38;
	[tilespmem:$0x6200] =	vst v63  }
0x4d: {  	s18 =	sshrl.u32 s16, $0x3;
	s20 =	sadd.s32 $0xC0, s10;
	s19 =	sor.u32 $0x400, s11  }
0x4e: {  	[hbm4b:s20+s3] =	stream.linear.scatter [tilespmem:s19], [sflag:$0x3], $0x80, $0x38;
	[tilespmem:$0x6200] =	vst v63  }
0x4f: {  	s22 =	sadd.s32 $0x140, s10;
	s13 =	smul.u32 $0x6000, s18;
	s21 =	sadd.s32 $0x800, s11  }
0x50: {  	[hbm4b:s22+s3] =	stream.linear.scatter [tilespmem:s21], [sflag:$0x3], $0x80, $0x38;
	[tilespmem:$0x6200] =	vst v63  }
0x51: {  	s13 =	sshra.s32 s13, $0x2;
	s23 =	sadd.s32 $0xC00, s11;
	s24 =	sadd.s32 $0x1C0, s10  }
0x52: {  	[hbm4b:s24+s3] =	stream.linear.scatter [tilespmem:s23], [sflag:$0x3], $0x80, $0x38;
	[tilespmem:$0x6200] =	vst v63  }
0x53: {  	s25 =	sadd.s32 $0x1000, s11;
	s26 =	sadd.s32 $0x240, s10;
	s12 =	sshll.u32 s16, $0x7  }
0x54: {  	(v2sf) =	vpush v0, $0x7;
	[hbm4b:s26+s3] =	stream.linear.scatter [tilespmem:s25], [sflag:$0x3], $0x80, $0x38;
	[tilespmem:$0x6200] =	vst v63  }
0x55: {  	s28 =	sadd.s32 $0x2C0, s10;
	s12 =	sand.u32 $0x380, s12;
	s11 =	sadd.s32 $0x1400, s11  }
0x56: {  	[hbm4b:s28+s3] =	stream.linear.scatter [tilespmem:s11], [sflag:$0x3], $0x80, $0x38;
	[tilespmem:$0x6200] =	vst v63  }
0x57: {  	s29 =	spop (v2sf);
	s30 =	sadd.s32 $0x50, s10;
	s12 =	sor.u32 s12, s13  }
0x58: {  	[hbm4b:s30+s3] =	stream.linear.scatter [tilespmem:s12], [sflag:$0x3], $0x80, $0x38;
	[tilespmem:$0x6200] =	vst v63  }
0x59: {  	s31 =	sshrl.u32 s29, $0x3;
	s16 =	sadd.s32 $0xD0, s10;
	s15 =	sor.u32 $0x400, s12  }
0x5a: {  	[hbm4b:s16+s3] =	stream.linear.scatter [tilespmem:s15], [sflag:$0x3], $0x80, $0x38;
	[tilespmem:$0x6200] =	vst v63  }
0x5b: {  	s18 =	sadd.s32 $0x150, s10;
	s13 =	smul.u32 $0x6000, s31;
	s17 =	sadd.s32 $0x800, s12  }
0x5c: {  	[hbm4b:s18+s3] =	stream.linear.scatter [tilespmem:s17], [sflag:$0x3], $0x80, $0x38;
	[tilespmem:$0x6200] =	vst v63  }
0x5d: {  	s13 =	sshra.s32 s13, $0x2;
	s19 =	sadd.s32 $0xC00, s12;
	s20 =	sadd.s32 $0x1D0, s10  }
0x5e: {  	[hbm4b:s20+s3] =	stream.linear.scatter [tilespmem:s19], [sflag:$0x3], $0x80, $0x38;
	[tilespmem:$0x6200] =	vst v63  }
0x5f: {  	s21 =	sadd.s32 $0x1000, s12;
	s22 =	sadd.s32 $0x250, s10;
	s11 =	sshll.u32 s29, $0x7  }
0x60: {  	(v2sf) =	vpush v0, $0x8;
	[hbm4b:s22+s3] =	stream.linear.scatter [tilespmem:s21], [sflag:$0x3], $0x80, $0x38;
	[tilespmem:$0x6200] =	vst v63  }
0x61: {  	s23 =	sadd.s32 $0x2D0, s10;
	s11 =	sand.u32 $0x380, s11;
	s12 =	sadd.s32 $0x1400, s12  }
0x62: {  	[hbm4b:s23+s3] =	stream.linear.scatter [tilespmem:s12], [sflag:$0x3], $0x80, $0x38;
	[tilespmem:$0x6200] =	vst v63  }
0x63: {  	s24 =	spop (v2sf);
	s25 =	sadd.s32 $0x60, s10;
	s11 =	sor.u32 s11, s13  }
0x64: {  	[hbm4b:s25+s3] =	stream.linear.scatter [tilespmem:s11], [sflag:$0x3], $0x80, $0x38;
	[tilespmem:$0x6200] =	vst v63  }
0x65: {  	s26 =	sshrl.u32 s24, $0x3;
	s29 =	sadd.s32 $0xE0, s10;
	s28 =	sor.u32 $0x400, s11  }
0x66: {  	[hbm4b:s29+s3] =	stream.linear.scatter [tilespmem:s28], [sflag:$0x3], $0x80, $0x38;
	[tilespmem:$0x6200] =	vst v63  }
0x67: {  	s31 =	sadd.s32 $0x160, s10;
	s13 =	smul.u32 $0x6000, s26;
	s30 =	sadd.s32 $0x800, s11  }
0x68: {  	[hbm4b:s31+s3] =	stream.linear.scatter [tilespmem:s30], [sflag:$0x3], $0x80, $0x38;
	[tilespmem:$0x6200] =	vst v63  }
0x69: {  	s13 =	sshra.s32 s13, $0x2;
	s15 =	sadd.s32 $0xC00, s11;
	s16 =	sadd.s32 $0x1E0, s10  }
0x6a: {  	[hbm4b:s16+s3] =	stream.linear.scatter [tilespmem:s15], [sflag:$0x3], $0x80, $0x38;
	[tilespmem:$0x6200] =	vst v63  }
0x6b: {  	s17 =	sadd.s32 $0x1000, s11;
	s18 =	sadd.s32 $0x260, s10;
	s12 =	sshll.u32 s24, $0x7  }
0x6c: {  	(v2sf) =	vpush v0, $0x9;
	[hbm4b:s18+s3] =	stream.linear.scatter [tilespmem:s17], [sflag:$0x3], $0x80, $0x38;
	[tilespmem:$0x6200] =	vst v63  }
0x6d: {  	s19 =	sadd.s32 $0x2E0, s10;
	s12 =	sand.u32 $0x380, s12;
	s11 =	sadd.s32 $0x1400, s11  }
0x6e: {  	[hbm4b:s19+s3] =	stream.linear.scatter [tilespmem:s11], [sflag:$0x3], $0x80, $0x38;
	[tilespmem:$0x6200] =	vst v63  }
0x6f: {  	s20 =	spop (v2sf);
	s21 =	sadd.s32 $0x70, s10;
	s12 =	sor.u32 s12, s13  }
0x70: {  	[hbm4b:s21+s3] =	stream.linear.scatter [tilespmem:s12], [sflag:$0x3], $0x80, $0x38;
	[tilespmem:$0x6200] =	vst v63  }
0x71: {  	s22 =	sshrl.u32 s20, $0x3;
	s24 =	sadd.s32 $0xF0, s10;
	s23 =	sor.u32 $0x400, s12  }
0x72: {  	[hbm4b:s24+s3] =	stream.linear.scatter [tilespmem:s23], [sflag:$0x3], $0x80, $0x38;
	[tilespmem:$0x6200] =	vst v63  }
0x73: {  	s26 =	sadd.s32 $0x170, s10;
	s13 =	smul.u32 $0x6000, s22;
	s25 =	sadd.s32 $0x800, s12  }
0x74: {  	[hbm4b:s26+s3] =	stream.linear.scatter [tilespmem:s25], [sflag:$0x3], $0x80, $0x38;
	[tilespmem:$0x6200] =	vst v63  }
0x75: {  	s13 =	sshra.s32 s13, $0x2;
	s28 =	sadd.s32 $0xC00, s12;
	s29 =	sadd.s32 $0x1F0, s10  }
0x76: {  	[hbm4b:s29+s3] =	stream.linear.scatter [tilespmem:s28], [sflag:$0x3], $0x80, $0x38;
	[tilespmem:$0x6200] =	vst v63  }
0x77: {  	s30 =	sadd.s32 $0x1000, s12;
	s31 =	sadd.s32 $0x270, s10;
	s11 =	sshll.u32 s20, $0x7  }
0x78: {  	(v2sf) =	vpush v0, $0xA;
	[hbm4b:s31+s3] =	stream.linear.scatter [tilespmem:s30], [sflag:$0x3], $0x80, $0x38;
	[tilespmem:$0x6200] =	vst v63  }
0x79: {  	s15 =	sadd.s32 $0x2F0, s10;
	s11 =	sand.u32 $0x380, s11;
	s12 =	sadd.s32 $0x1400, s12  }
0x7a: {  	[hbm4b:s15+s3] =	stream.linear.scatter [tilespmem:s12], [sflag:$0x3], $0x80, $0x38;
	[tilespmem:$0x6200] =	vst v63  }
0x7b: {  	s16 =	spop (v2sf);
	s17 =	sadd.s32 $0x300, s10;
	s11 =	sor.u32 s11, s13  }
0x7c: {  	[hbm4b:s17+s3] =	stream.linear.scatter [tilespmem:s11], [sflag:$0x3], $0x80, $0x38;
	[tilespmem:$0x6200] =	vst v63  }
0x7d: {  	s18 =	sshrl.u32 s16, $0x3;
	s20 =	sadd.s32 $0x380, s10;
	s19 =	sor.u32 $0x400, s11  }
0x7e: {  	[hbm4b:s20+s3] =	stream.linear.scatter [tilespmem:s19], [sflag:$0x3], $0x80, $0x38;
	[tilespmem:$0x6200] =	vst v63  }
0x7f: {  	s22 =	sadd.s32 $0x400, s10;
	s13 =	smul.u32 $0x6000, s18;
	s21 =	sadd.s32 $0x800, s11  }
0x80: {  	[hbm4b:s22+s3] =	stream.linear.scatter [tilespmem:s21], [sflag:$0x3], $0x80, $0x38;
	[tilespmem:$0x6200] =	vst v63  }
0x81: {  	s13 =	sshra.s32 s13, $0x2;
	s23 =	sadd.s32 $0xC00, s11;
	s24 =	sadd.s32 $0x480, s10  }
0x82: {  	[hbm4b:s24+s3] =	stream.linear.scatter [tilespmem:s23], [sflag:$0x3], $0x80, $0x38;
	[tilespmem:$0x6200] =	vst v63  }
0x83: {  	s25 =	sadd.s32 $0x1000, s11;
	s26 =	sadd.s32 $0x500, s10;
	s12 =	sshll.u32 s16, $0x7  }
0x84: {  	(v2sf) =	vpush v0, $0xB;
	[hbm4b:s26+s3] =	stream.linear.scatter [tilespmem:s25], [sflag:$0x3], $0x80, $0x38;
	[tilespmem:$0x6200] =	vst v63  }
0x85: {  	s28 =	sadd.s32 $0x580, s10;
	s12 =	sand.u32 $0x380, s12;
	s11 =	sadd.s32 $0x1400, s11  }
0x86: {  	[hbm4b:s28+s3] =	stream.linear.scatter [tilespmem:s11], [sflag:$0x3], $0x80, $0x38;
	[tilespmem:$0x6200] =	vst v63  }
0x87: {  	s29 =	spop (v2sf);
	s30 =	sadd.s32 $0x310, s10;
	s12 =	sor.u32 s12, s13  }
0x88: {  	[hbm4b:s30+s3] =	stream.linear.scatter [tilespmem:s12], [sflag:$0x3], $0x80, $0x38;
	[tilespmem:$0x6200] =	vst v63  }
0x89: {  	s31 =	sshrl.u32 s29, $0x3;
	s16 =	sadd.s32 $0x390, s10;
	s15 =	sor.u32 $0x400, s12  }
0x8a: {  	[hbm4b:s16+s3] =	stream.linear.scatter [tilespmem:s15], [sflag:$0x3], $0x80, $0x38;
	[tilespmem:$0x6200] =	vst v63  }
0x8b: {  	s18 =	sadd.s32 $0x410, s10;
	s13 =	smul.u32 $0x6000, s31;
	s17 =	sadd.s32 $0x800, s12  }
0x8c: {  	[hbm4b:s18+s3] =	stream.linear.scatter [tilespmem:s17], [sflag:$0x3], $0x80, $0x38;
	[tilespmem:$0x6200] =	vst v63  }
0x8d: {  	s13 =	sshra.s32 s13, $0x2;
	s19 =	sadd.s32 $0xC00, s12;
	s20 =	sadd.s32 $0x490, s10  }
0x8e: {  	[hbm4b:s20+s3] =	stream.linear.scatter [tilespmem:s19], [sflag:$0x3], $0x80, $0x38;
	[tilespmem:$0x6200] =	vst v63  }
0x8f: {  	s21 =	sadd.s32 $0x1000, s12;
	s22 =	sadd.s32 $0x510, s10;
	s11 =	sshll.u32 s29, $0x7  }
0x90: {  	(v2sf) =	vpush v0, $0xC;
	[hbm4b:s22+s3] =	stream.linear.scatter [tilespmem:s21], [sflag:$0x3], $0x80, $0x38;
	[tilespmem:$0x6200] =	vst v63  }
0x91: {  	s23 =	sadd.s32 $0x590, s10;
	s11 =	sand.u32 $0x380, s11;
	s12 =	sadd.s32 $0x1400, s12  }
0x92: {  	[hbm4b:s23+s3] =	stream.linear.scatter [tilespmem:s12], [sflag:$0x3], $0x80, $0x38;
	[tilespmem:$0x6200] =	vst v63  }
0x93: {  	s24 =	spop (v2sf);
	s25 =	sadd.s32 $0x320, s10;
	s11 =	sor.u32 s11, s13  }
0x94: {  	[hbm4b:s25+s3] =	stream.linear.scatter [tilespmem:s11], [sflag:$0x3], $0x80, $0x38;
	[tilespmem:$0x6200] =	vst v63  }
0x95: {  	s26 =	sshrl.u32 s24, $0x3;
	s29 =	sadd.s32 $0x3A0, s10;
	s28 =	sor.u32 $0x400, s11  }
0x96: {  	[hbm4b:s29+s3] =	stream.linear.scatter [tilespmem:s28], [sflag:$0x3], $0x80, $0x38;
	[tilespmem:$0x6200] =	vst v63  }
0x97: {  	s31 =	sadd.s32 $0x420, s10;
	s13 =	smul.u32 $0x6000, s26;
	s30 =	sadd.s32 $0x800, s11  }
0x98: {  	[hbm4b:s31+s3] =	stream.linear.scatter [tilespmem:s30], [sflag:$0x3], $0x80, $0x38;
	[tilespmem:$0x6200] =	vst v63  }
0x99: {  	s13 =	sshra.s32 s13, $0x2;
	s15 =	sadd.s32 $0xC00, s11;
	s16 =	sadd.s32 $0x4A0, s10  }
0x9a: {  	[hbm4b:s16+s3] =	stream.linear.scatter [tilespmem:s15], [sflag:$0x3], $0x80, $0x38;
	[tilespmem:$0x6200] =	vst v63  }
0x9b: {  	s17 =	sadd.s32 $0x1000, s11;
	s18 =	sadd.s32 $0x520, s10;
	s12 =	sshll.u32 s24, $0x7  }
0x9c: {  	(v2sf) =	vpush v0, $0xD;
	[hbm4b:s18+s3] =	stream.linear.scatter [tilespmem:s17], [sflag:$0x3], $0x80, $0x38;
	[tilespmem:$0x6200] =	vst v63  }
0x9d: {  	s19 =	sadd.s32 $0x5A0, s10;
	s12 =	sand.u32 $0x380, s12;
	s11 =	sadd.s32 $0x1400, s11  }
0x9e: {  	[hbm4b:s19+s3] =	stream.linear.scatter [tilespmem:s11], [sflag:$0x3], $0x80, $0x38;
	[tilespmem:$0x6200] =	vst v63  }
0x9f: {  	s20 =	spop (v2sf);
	s21 =	sadd.s32 $0x330, s10;
	s12 =	sor.u32 s12, s13  }
0xa0: {  	[hbm4b:s21+s3] =	stream.linear.scatter [tilespmem:s12], [sflag:$0x3], $0x80, $0x38;
	[tilespmem:$0x6200] =	vst v63  }
0xa1: {  	s22 =	sshrl.u32 s20, $0x3;
	s24 =	sadd.s32 $0x3B0, s10;
	s23 =	sor.u32 $0x400, s12  }
0xa2: {  	[hbm4b:s24+s3] =	stream.linear.scatter [tilespmem:s23], [sflag:$0x3], $0x80, $0x38;
	[tilespmem:$0x6200] =	vst v63  }
0xa3: {  	s26 =	sadd.s32 $0x430, s10;
	s13 =	smul.u32 $0x6000, s22;
	s25 =	sadd.s32 $0x800, s12  }
0xa4: {  	[hbm4b:s26+s3] =	stream.linear.scatter [tilespmem:s25], [sflag:$0x3], $0x80, $0x38;
	[tilespmem:$0x6200] =	vst v63  }
0xa5: {  	s13 =	sshra.s32 s13, $0x2;
	s28 =	sadd.s32 $0xC00, s12;
	s29 =	sadd.s32 $0x4B0, s10  }
0xa6: {  	[hbm4b:s29+s3] =	stream.linear.scatter [tilespmem:s28], [sflag:$0x3], $0x80, $0x38;
	[tilespmem:$0x6200] =	vst v63  }
0xa7: {  	s30 =	sadd.s32 $0x1000, s12;
	s31 =	sadd.s32 $0x530, s10;
	s11 =	sshll.u32 s20, $0x7  }
0xa8: {  	(v2sf) =	vpush v0, $0xE;
	[hbm4b:s31+s3] =	stream.linear.scatter [tilespmem:s30], [sflag:$0x3], $0x80, $0x38;
	[tilespmem:$0x6200] =	vst v63  }
0xa9: {  	s15 =	sadd.s32 $0x5B0, s10;
	s11 =	sand.u32 $0x380, s11;
	s12 =	sadd.s32 $0x1400, s12  }
0xaa: {  	[hbm4b:s15+s3] =	stream.linear.scatter [tilespmem:s12], [sflag:$0x3], $0x80, $0x38;
	[tilespmem:$0x6200] =	vst v63  }
0xab: {  	s16 =	spop (v2sf);
	s17 =	sadd.s32 $0x340, s10;
	s11 =	sor.u32 s11, s13  }
0xac: {  	[hbm4b:s17+s3] =	stream.linear.scatter [tilespmem:s11], [sflag:$0x3], $0x80, $0x38;
	[tilespmem:$0x6200] =	vst v63  }
0xad: {  	s18 =	sshrl.u32 s16, $0x3;
	s20 =	sadd.s32 $0x3C0, s10;
	s19 =	sor.u32 $0x400, s11  }
0xae: {  	[hbm4b:s20+s3] =	stream.linear.scatter [tilespmem:s19], [sflag:$0x3], $0x80, $0x38;
	[tilespmem:$0x6200] =	vst v63  }
0xaf: {  	s22 =	sadd.s32 $0x440, s10;
	s13 =	smul.u32 $0x6000, s18;
	s21 =	sadd.s32 $0x800, s11  }
0xb0: {  	[hbm4b:s22+s3] =	stream.linear.scatter [tilespmem:s21], [sflag:$0x3], $0x80, $0x38;
	[tilespmem:$0x6200] =	vst v63  }
0xb1: {  	s13 =	sshra.s32 s13, $0x2;
	s23 =	sadd.s32 $0xC00, s11;
	s24 =	sadd.s32 $0x4C0, s10  }
0xb2: {  	[hbm4b:s24+s3] =	stream.linear.scatter [tilespmem:s23], [sflag:$0x3], $0x80, $0x38;
	[tilespmem:$0x6200] =	vst v63  }
0xb3: {  	s25 =	sadd.s32 $0x1000, s11;
	s26 =	sadd.s32 $0x540, s10;
	s12 =	sshll.u32 s16, $0x7  }
0xb4: {  	(v2sf) =	vpush v0, $0xF;
	[hbm4b:s26+s3] =	stream.linear.scatter [tilespmem:s25], [sflag:$0x3], $0x80, $0x38;
	[tilespmem:$0x6200] =	vst v63  }
0xb5: {  	s28 =	sadd.s32 $0x5C0, s10;
	s12 =	sand.u32 $0x380, s12;
	s11 =	sadd.s32 $0x1400, s11  }
0xb6: {  	[hbm4b:s28+s3] =	stream.linear.scatter [tilespmem:s11], [sflag:$0x3], $0x80, $0x38;
	[tilespmem:$0x6200] =	vst v63  }
0xb7: {  	s29 =	spop (v2sf);
	s30 =	sadd.s32 $0x350, s10;
	s12 =	sor.u32 s12, s13  }
0xb8: {  	[hbm4b:s30+s3] =	stream.linear.scatter [tilespmem:s12], [sflag:$0x3], $0x80, $0x38;
	[tilespmem:$0x6200] =	vst v63  }
0xb9: {  	s31 =	sshrl.u32 s29, $0x3;
	s16 =	sadd.s32 $0x3D0, s10;
	s15 =	sor.u32 $0x400, s12  }
0xba: {  	[hbm4b:s16+s3] =	stream.linear.scatter [tilespmem:s15], [sflag:$0x3], $0x80, $0x38;
	[tilespmem:$0x6200] =	vst v63  }
0xbb: {  	s18 =	sadd.s32 $0x450, s10;
	s13 =	smul.u32 $0x6000, s31;
	s17 =	sadd.s32 $0x800, s12  }
0xbc: {  	[hbm4b:s18+s3] =	stream.linear.scatter [tilespmem:s17], [sflag:$0x3], $0x80, $0x38;
	[tilespmem:$0x6200] =	vst v63  }
0xbd: {  	s13 =	sshra.s32 s13, $0x2;
	s19 =	sadd.s32 $0xC00, s12;
	s20 =	sadd.s32 $0x4D0, s10  }
0xbe: {  	[hbm4b:s20+s3] =	stream.linear.scatter [tilespmem:s19], [sflag:$0x3], $0x80, $0x38;
	[tilespmem:$0x6200] =	vst v63  }
0xbf: {  	s21 =	sadd.s32 $0x1000, s12;
	s22 =	sadd.s32 $0x550, s10;
	s11 =	sshll.u32 s29, $0x7  }
0xc0: {  	[hbm4b:s22+s3] =	stream.linear.scatter [tilespmem:s21], [sflag:$0x3], $0x80, $0x38;
	[tilespmem:$0x6200] =	vst v63  }
0xc1: {  	s23 =	sadd.s32 $0x5D0, s10;
	s11 =	sand.u32 $0x380, s11;
	s12 =	sadd.s32 $0x1400, s12  }
0xc2: {  	[hbm4b:s23+s3] =	stream.linear.scatter [tilespmem:s12], [sflag:$0x3], $0x80, $0x38;
	[tilespmem:$0x6200] =	vst v63  }
0xc3: {  	s24 =	spop (v2sf);
	s25 =	sadd.s32 $0x360, s10;
	s11 =	sor.u32 s11, s13  }
0xc4: {  	[hbm4b:s25+s3] =	stream.linear.scatter [tilespmem:s11], [sflag:$0x3], $0x80, $0x38;
	[tilespmem:$0x6200] =	vst v63  }
0xc5: {  	s26 =	sshrl.u32 s24, $0x3;
	s29 =	sadd.s32 $0x3E0, s10;
	s28 =	sor.u32 $0x400, s11  }
0xc6: {  	[hbm4b:s29+s3] =	stream.linear.scatter [tilespmem:s28], [sflag:$0x3], $0x80, $0x38;
	[tilespmem:$0x6200] =	vst v63  }
0xc7: {  	s31 =	sadd.s32 $0x460, s10;
	s13 =	smul.u32 $0x6000, s26;
	s30 =	sadd.s32 $0x800, s11  }
0xc8: {  	[hbm4b:s31+s3] =	stream.linear.scatter [tilespmem:s30], [sflag:$0x3], $0x80, $0x38;
	[tilespmem:$0x6200] =	vst v63  }
0xc9: {  	s13 =	sshra.s32 s13, $0x2;
	s16 =	sadd.s32 $0xC00, s11;
	s17 =	sadd.s32 $0x4E0, s10  }
0xca: {  	[hbm4b:s17+s3] =	stream.linear.scatter [tilespmem:s16], [sflag:$0x3], $0x80, $0x38;
	[tilespmem:$0x6200] =	vst v63  }
0xcb: {  	s18 =	sadd.s32 $0x1000, s11;
	s19 =	sadd.s32 $0x560, s10;
	s12 =	sshll.u32 s24, $0x7  }
0xcc: {  	[hbm4b:s19+s3] =	stream.linear.scatter [tilespmem:s18], [sflag:$0x3], $0x80, $0x38;
	[tilespmem:$0x6200] =	vst v63  }
0xcd: {  	s20 =	sadd.s32 $0x5E0, s10;
	s12 =	sand.u32 $0x380, s12;
	s11 =	sadd.s32 $0x1400, s11  }
0xce: {  	[hbm4b:s20+s3] =	stream.linear.scatter [tilespmem:s11], [sflag:$0x3], $0x80, $0x38;
	[tilespmem:$0x6200] =	vst v63  }
0xcf: {  	s21 =	sadd.s32 $0x370, s10;
	s12 =	sor.u32 s12, s13  }
0xd0: {  	[hbm4b:s21+s3] =	stream.linear.scatter [tilespmem:s12], [sflag:$0x3], $0x80, $0x38;
	[tilespmem:$0x6200] =	vst v63  }
0xd1: {  	s23 =	sadd.s32 $0x3F0, s10;
	s22 =	sor.u32 $0x400, s12  }
0xd2: {  	[hbm4b:s23+s3] =	stream.linear.scatter [tilespmem:s22], [sflag:$0x3], $0x80, $0x38;
	[tilespmem:$0x6200] =	vst v63  }
0xd3: {  	s25 =	sadd.s32 $0x470, s10;
	s24 =	sadd.s32 $0x800, s12  }
0xd4: {  	[hbm4b:s25+s3] =	stream.linear.scatter [tilespmem:s24], [sflag:$0x3], $0x80, $0x38;
	[tilespmem:$0x6200] =	vst v63  }
0xd5: {  	p1 =	por $0x1, $0x1;
	s26 =	sadd.s32 $0xC00, s12;
	s28 =	sadd.s32 $0x4F0, s10  }
0xd6: {  	[hbm4b:s28+s3] =	stream.linear.scatter [tilespmem:s26], [sflag:$0x3], $0x80, $0x38;
	[tilespmem:$0x6200] =	vst v63  }
0xd7: {  	s13 =	simm.s32 @!p1 $0x3;
	s29 =	sadd.s32 $0x1000, s12;
	s30 =	sadd.s32 $0x570, s10  }
0xd8: {  	[hbm4b:s30+s3] =	stream.linear.scatter [tilespmem:s29], [sflag:$0x3], $0x80, $0x38;
	[tilespmem:$0x6200] =	vst v63  }
0xd9: {  	s31 =	sadd.s32 $0x1400, s12;
	s10 =	sadd.s32 $0x5F0, s10;
	s11 =	simm.s32 $0x6010  }
0xda: {  	[hbm4b:s10+s3] =	stream.linear.scatter [tilespmem:s31], [sflag:$0x3], $0x80, $0x38;
	[tilespmem:$0x6200] =	vst v63  }
0xdb: {  	s12 =	simm.s32 $0x0;
	s10 =	simm.s32 $0x600;
	_ =	swait.ge @!p1 [sflag:s13], $0x3000  }
.LBB2_2:
0xdc: {  	[sflag:s13] =	ssyncset.done @!p1 $0x0  }
0xdd: {  	[sflag:s13] =	ssyncadd.s32 @!p1 $0xFFFFD000  }
0xde: {  	v0 =	vld [tilespmem:s11+$0x0];
	_ =	sdelay $0x4  }
0xdf: {  	(v2sf) =	vpush v0, $0x0;
	_ =	sdelay $0x4  }
0xe0: {  	(v2sf) =	vpush v0, $0x1;
	_ =	sdelay $0x3  }
0xe1: {  	(v2sf) =	vpush v0, $0x2;
	_ =	sdelay $0x5  }
0xe2: {  	s15 =	spop (v2sf)  }
0xe3: {  	s14 =	smov.u32 s10;
	s29 =	rddreg [dreg:$0x4];
	s16 =	sshrl.u32 s15, $0x3  }
0xe4: {  	s13 =	sadd.s32 s14, s29;
	s16 =	smul.u32 $0x6000, s16  }
0xe5: {  	s21 =	sadd.s32 $0x80, s13;
	s23 =	sadd.s32 $0x100, s13;
	s15 =	sshll.u32 s15, $0x7  }
0xe6: {  	s25 =	sadd.s32 $0x180, s13;
	(v2sf) =	vpush v0, $0x3;
	s15 =	sand.u32 $0x380, s15;
	s16 =	sshra.s32 s16, $0x2  }
0xe7: {  	s28 =	sadd.s32 $0x200, s13;
	s17 =	spop (v2sf);
	s30 =	sor.u32 s15, s16  }
0xe8: {  	[hbm4b:s13+s3] =	stream.linear.scatter [tilespmem:s30], [sflag:$0x3], $0x80, $0x38;
	[tilespmem:$0x6200] =	vst v63  }
0xe9: {  	s29 =	sadd.s32 $0x280, s13;
	s18 =	sshrl.u32 s17, $0x3;
	s16 =	sor.u32 $0x400, s30  }
0xea: {  	[hbm4b:s21+s3] =	stream.linear.scatter [tilespmem:s16], [sflag:$0x3], $0x80, $0x38;
	[tilespmem:$0x6200] =	vst v63  }
0xeb: {  	s17 =	sshll.u32 s17, $0x7;
	s19 =	spop (v2sf);
	s22 =	sadd.s32 $0x800, s30  }
0xec: {  	[hbm4b:s23+s3] =	stream.linear.scatter [tilespmem:s22], [sflag:$0x3], $0x80, $0x38;
	[tilespmem:$0x6200] =	vst v63  }
0xed: {  	s18 =	smul.u32 $0x6000, s18;
	s20 =	sshrl.u32 s19, $0x3;
	s24 =	sadd.s32 $0xC00, s30  }
0xee: {  	[hbm4b:s25+s3] =	stream.linear.scatter [tilespmem:s24], [sflag:$0x3], $0x80, $0x38;
	[tilespmem:$0x6200] =	vst v63  }
0xef: {  	s19 =	sshll.u32 s19, $0x7;
	s17 =	sand.u32 $0x380, s17;
	s26 =	sadd.s32 $0x1000, s30  }
0xf0: {  	[hbm4b:s28+s3] =	stream.linear.scatter [tilespmem:s26], [sflag:$0x3], $0x80, $0x38;
	[tilespmem:$0x6200] =	vst v63  }
0xf1: {  	s20 =	smul.u32 $0x6000, s20;
	s31 =	sshra.s32 s18, $0x2;
	s14 =	sadd.s32 $0x1400, s30  }
0xf2: {  	[hbm4b:s29+s3] =	stream.linear.scatter [tilespmem:s14], [sflag:$0x3], $0x80, $0x38;
	[tilespmem:$0x6200] =	vst v63  }
0xf3: {  	s18 =	sadd.s32 $0x90, s13;
	s30 =	sadd.s32 $0x10, s13;
	s15 =	sor.u32 s17, s31  }
0xf4: {  	(v2sf) =	vpush v0, $0x4;
	[hbm4b:s30+s3] =	stream.linear.scatter [tilespmem:s15], [sflag:$0x3], $0x80, $0x38;
	[tilespmem:$0x6200] =	vst v63  }
0xf5: {  	s20 =	sshra.s32 s20, $0x2;
	s17 =	sor.u32 $0x400, s15;
	s21 =	spop (v2sf)  }
0xf6: {  	[hbm4b:s18+s3] =	stream.linear.scatter [tilespmem:s17], [sflag:$0x3], $0x80, $0x38;
	[tilespmem:$0x6200] =	vst v63  }
0xf7: {  	s31 =	sshrl.u32 s21, $0x3;
	s22 =	sadd.s32 $0x800, s15;
	s23 =	sadd.s32 $0x110, s13  }
0xf8: {  	[hbm4b:s23+s3] =	stream.linear.scatter [tilespmem:s22], [sflag:$0x3], $0x80, $0x38;
	[tilespmem:$0x6200] =	vst v63  }
0xf9: {  	s16 =	smul.u32 $0x6000, s31;
	s24 =	sadd.s32 $0xC00, s15;
	s25 =	sadd.s32 $0x190, s13  }
0xfa: {  	[hbm4b:s25+s3] =	stream.linear.scatter [tilespmem:s24], [sflag:$0x3], $0x80, $0x38;
	[tilespmem:$0x6200] =	vst v63  }
0xfb: {  	s31 =	sand.u32 $0x380, s19;
	s26 =	sadd.s32 $0x1000, s15;
	s28 =	sadd.s32 $0x210, s13  }
0xfc: {  	(v2sf) =	vpush v0, $0x5;
	[hbm4b:s28+s3] =	stream.linear.scatter [tilespmem:s26], [sflag:$0x3], $0x80, $0x38;
	[tilespmem:$0x6200] =	vst v63  }
0xfd: {  	s19 =	sadd.s32 $0x20, s13;
	s29 =	sadd.s32 $0x1400, s15;
	s30 =	sadd.s32 $0x290, s13  }
0xfe: {  	[hbm4b:s30+s3] =	stream.linear.scatter [tilespmem:s29], [sflag:$0x3], $0x80, $0x38;
	[tilespmem:$0x6200] =	vst v63  }
0xff: {  	s16 =	sshra.s32 s16, $0x2;
	s15 =	sor.u32 s31, s20;
	s31 =	sadd.s32 $0x220, s13  }
0x100: {  	[hbm4b:s19+s3] =	stream.linear.scatter [tilespmem:s15], [sflag:$0x3], $0x80, $0x38;
	[tilespmem:$0x6200] =	vst v63  }
0x101: {  	s18 =	sshll.u32 s21, $0x7;
	s23 =	sor.u32 $0x400, s15;
	s24 =	sadd.s32 $0xA0, s13  }
0x102: {  	[hbm4b:s24+s3] =	stream.linear.scatter [tilespmem:s23], [sflag:$0x3], $0x80, $0x38;
	[tilespmem:$0x6200] =	vst v63  }
0x103: {  	s21 =	spop (v2sf);
	s25 =	sadd.s32 $0x800, s15;
	s26 =	sadd.s32 $0x120, s13  }
0x104: {  	[hbm4b:s26+s3] =	stream.linear.scatter [tilespmem:s25], [sflag:$0x3], $0x80, $0x38;
	[tilespmem:$0x6200] =	vst v63  }
0x105: {  	s20 =	sshll.u32 s21, $0x7;
	s28 =	sadd.s32 $0xC00, s15;
	s29 =	sadd.s32 $0x1A0, s13  }
0x106: {  	[hbm4b:s29+s3] =	stream.linear.scatter [tilespmem:s28], [sflag:$0x3], $0x80, $0x38;
	[tilespmem:$0x6200] =	vst v63  }
0x107: {  	s18 =	sand.u32 $0x380, s18;
	s22 =	sshrl.u32 s21, $0x3;
	s30 =	sadd.s32 $0x1000, s15  }
0x108: {  	(v2sf) =	vpush v0, $0x6;
	[hbm4b:s31+s3] =	stream.linear.scatter [tilespmem:s30], [sflag:$0x3], $0x80, $0x38;
	[tilespmem:$0x6200] =	vst v63  }
0x109: {  	s17 =	smul.u32 $0x6000, s22;
	s22 =	sadd.s32 $0x1400, s15;
	s23 =	sadd.s32 $0x2A0, s13  }
0x10a: {  	[hbm4b:s23+s3] =	stream.linear.scatter [tilespmem:s22], [sflag:$0x3], $0x80, $0x38;
	[tilespmem:$0x6200] =	vst v63  }
0x10b: {  	s21 =	spop (v2sf);
	s24 =	sadd.s32 $0x30, s13;
	s25 =	sor.u32 s18, s16  }
0x10c: {  	[hbm4b:s24+s3] =	stream.linear.scatter [tilespmem:s25], [sflag:$0x3], $0x80, $0x38;
	[tilespmem:$0x6200] =	vst v63  }
0x10d: {  	s17 =	sshra.s32 s17, $0x2;
	s28 =	sor.u32 $0x400, s25;
	s29 =	sadd.s32 $0xB0, s13  }
0x10e: {  	[hbm4b:s29+s3] =	stream.linear.scatter [tilespmem:s28], [sflag:$0x3], $0x80, $0x38;
	[tilespmem:$0x6200] =	vst v63  }
0x10f: {  	s19 =	sshll.u32 s21, $0x7;
	s30 =	sadd.s32 $0x800, s25;
	s31 =	sadd.s32 $0x130, s13  }
0x110: {  	[hbm4b:s31+s3] =	stream.linear.scatter [tilespmem:s30], [sflag:$0x3], $0x80, $0x38;
	[tilespmem:$0x6200] =	vst v63  }
0x111: {  	s26 =	sshrl.u32 s21, $0x3;
	s18 =	sadd.s32 $0xC00, s25;
	s22 =	sadd.s32 $0x1B0, s13  }
0x112: {  	[hbm4b:s22+s3] =	stream.linear.scatter [tilespmem:s18], [sflag:$0x3], $0x80, $0x38;
	[tilespmem:$0x6200] =	vst v63  }
0x113: {  	s16 =	smul.u32 $0x6000, s26;
	s23 =	sadd.s32 $0x1000, s25;
	s24 =	sadd.s32 $0x230, s13  }
0x114: {  	[hbm4b:s24+s3] =	stream.linear.scatter [tilespmem:s23], [sflag:$0x3], $0x80, $0x38;
	[tilespmem:$0x6200] =	vst v63  }
0x115: {  	s26 =	sadd.s32 $0x2B0, s13;
	s25 =	sadd.s32 $0x1400, s25;
	s28 =	sand.u32 $0x380, s20  }
0x116: {  	[hbm4b:s26+s3] =	stream.linear.scatter [tilespmem:s25], [sflag:$0x3], $0x80, $0x38;
	[tilespmem:$0x6200] =	vst v63  }
0x117: {  	s21 =	spop (v2sf);
	s29 =	sadd.s32 $0x40, s13;
	s30 =	sor.u32 s28, s17  }
0x118: {  	(v2sf) =	vpush v0, $0x7;
	[hbm4b:s29+s3] =	stream.linear.scatter [tilespmem:s30], [sflag:$0x3], $0x80, $0x38;
	[tilespmem:$0x6200] =	vst v63  }
0x119: {  	s16 =	sshra.s32 s16, $0x2;
	s20 =	sadd.s32 $0xC0, s13;
	s18 =	sor.u32 $0x400, s30  }
0x11a: {  	[hbm4b:s20+s3] =	stream.linear.scatter [tilespmem:s18], [sflag:$0x3], $0x80, $0x38;
	[tilespmem:$0x6200] =	vst v63  }
0x11b: {  	s31 =	sshrl.u32 s21, $0x3;
	s22 =	sadd.s32 $0x800, s30;
	s23 =	sadd.s32 $0x140, s13  }
0x11c: {  	[hbm4b:s23+s3] =	stream.linear.scatter [tilespmem:s22], [sflag:$0x3], $0x80, $0x38;
	[tilespmem:$0x6200] =	vst v63  }
0x11d: {  	s28 =	sadd.s32 $0x240, s13;
	s24 =	sadd.s32 $0xC00, s30;
	s25 =	sadd.s32 $0x1C0, s13  }
0x11e: {  	[hbm4b:s25+s3] =	stream.linear.scatter [tilespmem:s24], [sflag:$0x3], $0x80, $0x38;
	[tilespmem:$0x6200] =	vst v63  }
0x11f: {  	s17 =	smul.u32 $0x6000, s31;
	s31 =	sand.u32 $0x380, s19;
	s26 =	sadd.s32 $0x1000, s30  }
0x120: {  	[hbm4b:s28+s3] =	stream.linear.scatter [tilespmem:s26], [sflag:$0x3], $0x80, $0x38;
	[tilespmem:$0x6200] =	vst v63  }
0x121: {  	s19 =	sadd.s32 $0x50, s13;
	s29 =	sadd.s32 $0x1400, s30;
	s30 =	sadd.s32 $0x2C0, s13  }
0x122: {  	(v2sf) =	vpush v0, $0x8;
	[hbm4b:s30+s3] =	stream.linear.scatter [tilespmem:s29], [sflag:$0x3], $0x80, $0x38;
	[tilespmem:$0x6200] =	vst v63  }
0x123: {  	s15 =	sor.u32 s31, s16;
	s31 =	sadd.s32 $0x250, s13;
	s17 =	sshra.s32 s17, $0x2  }
0x124: {  	[hbm4b:s19+s3] =	stream.linear.scatter [tilespmem:s15], [sflag:$0x3], $0x80, $0x38;
	[tilespmem:$0x6200] =	vst v63  }
0x125: {  	s20 =	sshll.u32 s21, $0x7;
	s23 =	sor.u32 $0x400, s15;
	s24 =	sadd.s32 $0xD0, s13  }
0x126: {  	[hbm4b:s24+s3] =	stream.linear.scatter [tilespmem:s23], [sflag:$0x3], $0x80, $0x38;
	[tilespmem:$0x6200] =	vst v63  }
0x127: {  	s21 =	spop (v2sf);
	s25 =	sadd.s32 $0x800, s15;
	s26 =	sadd.s32 $0x150, s13  }
0x128: {  	[hbm4b:s26+s3] =	stream.linear.scatter [tilespmem:s25], [sflag:$0x3], $0x80, $0x38;
	[tilespmem:$0x6200] =	vst v63  }
0x129: {  	s22 =	sshrl.u32 s21, $0x3;
	s28 =	sadd.s32 $0xC00, s15;
	s29 =	sadd.s32 $0x1D0, s13  }
0x12a: {  	[hbm4b:s29+s3] =	stream.linear.scatter [tilespmem:s28], [sflag:$0x3], $0x80, $0x38;
	[tilespmem:$0x6200] =	vst v63  }
0x12b: {  	s18 =	sadd.s32 $0x1400, s15;
	s16 =	smul.u32 $0x6000, s22;
	s30 =	sadd.s32 $0x1000, s15  }
0x12c: {  	(v2sf) =	vpush v0, $0x9;
	[hbm4b:s31+s3] =	stream.linear.scatter [tilespmem:s30], [sflag:$0x3], $0x80, $0x38;
	[tilespmem:$0x6200] =	vst v63  }
0x12d: {  	s22 =	sadd.s32 $0x2D0, s13;
	s16 =	sshra.s32 s16, $0x2;
	s23 =	sand.u32 $0x380, s20  }
0x12e: {  	[hbm4b:s22+s3] =	stream.linear.scatter [tilespmem:s18], [sflag:$0x3], $0x80, $0x38;
	[tilespmem:$0x6200] =	vst v63  }
0x12f: {  	s19 =	sshll.u32 s21, $0x7;
	s24 =	sadd.s32 $0x60, s13;
	s25 =	sor.u32 s23, s17  }
0x130: {  	[hbm4b:s24+s3] =	stream.linear.scatter [tilespmem:s25], [sflag:$0x3], $0x80, $0x38;
	[tilespmem:$0x6200] =	vst v63  }
0x131: {  	s21 =	spop (v2sf);
	s28 =	sor.u32 $0x400, s25;
	s29 =	sadd.s32 $0xE0, s13  }
0x132: {  	[hbm4b:s29+s3] =	stream.linear.scatter [tilespmem:s28], [sflag:$0x3], $0x80, $0x38;
	[tilespmem:$0x6200] =	vst v63  }
0x133: {  	s20 =	sshll.u32 s21, $0x7;
	s30 =	sadd.s32 $0x800, s25;
	s31 =	sadd.s32 $0x160, s13  }
0x134: {  	[hbm4b:s31+s3] =	stream.linear.scatter [tilespmem:s30], [sflag:$0x3], $0x80, $0x38;
	[tilespmem:$0x6200] =	vst v63  }
0x135: {  	s26 =	sshrl.u32 s21, $0x3;
	s18 =	sadd.s32 $0xC00, s25;
	s22 =	sadd.s32 $0x1E0, s13  }
0x136: {  	[hbm4b:s22+s3] =	stream.linear.scatter [tilespmem:s18], [sflag:$0x3], $0x80, $0x38;
	[tilespmem:$0x6200] =	vst v63  }
0x137: {  	s17 =	smul.u32 $0x6000, s26;
	s23 =	sadd.s32 $0x1000, s25;
	s24 =	sadd.s32 $0x260, s13  }
0x138: {  	[hbm4b:s24+s3] =	stream.linear.scatter [tilespmem:s23], [sflag:$0x3], $0x80, $0x38;
	[tilespmem:$0x6200] =	vst v63  }
0x139: {  	s26 =	sadd.s32 $0x2E0, s13;
	s25 =	sadd.s32 $0x1400, s25;
	s28 =	sand.u32 $0x380, s19  }
0x13a: {  	[hbm4b:s26+s3] =	stream.linear.scatter [tilespmem:s25], [sflag:$0x3], $0x80, $0x38;
	[tilespmem:$0x6200] =	vst v63  }
0x13b: {  	s21 =	spop (v2sf);
	s29 =	sadd.s32 $0x70, s13;
	s30 =	sor.u32 s28, s16  }
0x13c: {  	(v2sf) =	vpush v0, $0xA;
	[hbm4b:s29+s3] =	stream.linear.scatter [tilespmem:s30], [sflag:$0x3], $0x80, $0x38;
	[tilespmem:$0x6200] =	vst v63  }
0x13d: {  	s17 =	sshra.s32 s17, $0x2;
	s19 =	sadd.s32 $0xF0, s13;
	s18 =	sor.u32 $0x400, s30  }
0x13e: {  	[hbm4b:s19+s3] =	stream.linear.scatter [tilespmem:s18], [sflag:$0x3], $0x80, $0x38;
	[tilespmem:$0x6200] =	vst v63  }
0x13f: {  	s31 =	sshrl.u32 s21, $0x3;
	s22 =	sadd.s32 $0x800, s30;
	s23 =	sadd.s32 $0x170, s13  }
0x140: {  	[hbm4b:s23+s3] =	stream.linear.scatter [tilespmem:s22], [sflag:$0x3], $0x80, $0x38;
	[tilespmem:$0x6200] =	vst v63  }
0x141: {  	s28 =	sadd.s32 $0x270, s13;
	s24 =	sadd.s32 $0xC00, s30;
	s25 =	sadd.s32 $0x1F0, s13  }
0x142: {  	[hbm4b:s25+s3] =	stream.linear.scatter [tilespmem:s24], [sflag:$0x3], $0x80, $0x38;
	[tilespmem:$0x6200] =	vst v63  }
0x143: {  	s16 =	smul.u32 $0x6000, s31;
	s31 =	sand.u32 $0x380, s20;
	s26 =	sadd.s32 $0x1000, s30  }
0x144: {  	[hbm4b:s28+s3] =	stream.linear.scatter [tilespmem:s26], [sflag:$0x3], $0x80, $0x38;
	[tilespmem:$0x6200] =	vst v63  }
0x145: {  	s20 =	sadd.s32 $0x300, s13;
	s29 =	sadd.s32 $0x1400, s30;
	s30 =	sadd.s32 $0x2F0, s13  }
0x146: {  	(v2sf) =	vpush v0, $0xB;
	[hbm4b:s30+s3] =	stream.linear.scatter [tilespmem:s29], [sflag:$0x3], $0x80, $0x38;
	[tilespmem:$0x6200] =	vst v63  }
0x147: {  	s15 =	sor.u32 s31, s17;
	s31 =	sadd.s32 $0x500, s13;
	s16 =	sshra.s32 s16, $0x2  }
0x148: {  	[hbm4b:s20+s3] =	stream.linear.scatter [tilespmem:s15], [sflag:$0x3], $0x80, $0x38;
	[tilespmem:$0x6200] =	vst v63  }
0x149: {  	s19 =	sshll.u32 s21, $0x7;
	s23 =	sor.u32 $0x400, s15;
	s24 =	sadd.s32 $0x380, s13  }
0x14a: {  	[hbm4b:s24+s3] =	stream.linear.scatter [tilespmem:s23], [sflag:$0x3], $0x80, $0x38;
	[tilespmem:$0x6200] =	vst v63  }
0x14b: {  	s21 =	spop (v2sf);
	s25 =	sadd.s32 $0x800, s15;
	s26 =	sadd.s32 $0x400, s13  }
0x14c: {  	[hbm4b:s26+s3] =	stream.linear.scatter [tilespmem:s25], [sflag:$0x3], $0x80, $0x38;
	[tilespmem:$0x6200] =	vst v63  }
0x14d: {  	s18 =	sadd.s32 $0x580, s13;
	s28 =	sadd.s32 $0xC00, s15;
	s29 =	sadd.s32 $0x480, s13  }
0x14e: {  	[hbm4b:s29+s3] =	stream.linear.scatter [tilespmem:s28], [sflag:$0x3], $0x80, $0x38;
	[tilespmem:$0x6200] =	vst v63  }
0x14f: {  	s19 =	sand.u32 $0x380, s19;
	s22 =	sshrl.u32 s21, $0x3;
	s30 =	sadd.s32 $0x1000, s15  }
0x150: {  	[hbm4b:s31+s3] =	stream.linear.scatter [tilespmem:s30], [sflag:$0x3], $0x80, $0x38;
	[tilespmem:$0x6200] =	vst v63  }
0x151: {  	s17 =	smul.u32 $0x6000, s22;
	s22 =	sadd.s32 $0x310, s13;
	s15 =	sadd.s32 $0x1400, s15  }
0x152: {  	(v2sf) =	vpush v0, $0xC;
	[hbm4b:s18+s3] =	stream.linear.scatter [tilespmem:s15], [sflag:$0x3], $0x80, $0x38;
	[tilespmem:$0x6200] =	vst v63  }
0x153: {  	s17 =	sshra.s32 s17, $0x2;
	s20 =	sshll.u32 s21, $0x7;
	s23 =	sor.u32 s19, s16  }
0x154: {  	[hbm4b:s22+s3] =	stream.linear.scatter [tilespmem:s23], [sflag:$0x3], $0x80, $0x38;
	[tilespmem:$0x6200] =	vst v63  }
0x155: {  	s21 =	spop (v2sf);
	s25 =	sor.u32 $0x400, s23;
	s26 =	sadd.s32 $0x390, s13  }
0x156: {  	[hbm4b:s26+s3] =	stream.linear.scatter [tilespmem:s25], [sflag:$0x3], $0x80, $0x38;
	[tilespmem:$0x6200] =	vst v63  }
0x157: {  	s24 =	sshrl.u32 s21, $0x3;
	s28 =	sadd.s32 $0x800, s23;
	s29 =	sadd.s32 $0x410, s13  }
0x158: {  	[hbm4b:s29+s3] =	stream.linear.scatter [tilespmem:s28], [sflag:$0x3], $0x80, $0x38;
	[tilespmem:$0x6200] =	vst v63  }
0x159: {  	s19 =	sshll.u32 s21, $0x7;
	s30 =	sadd.s32 $0xC00, s23;
	s31 =	sadd.s32 $0x490, s13  }
0x15a: {  	[hbm4b:s31+s3] =	stream.linear.scatter [tilespmem:s30], [sflag:$0x3], $0x80, $0x38;
	[tilespmem:$0x6200] =	vst v63  }
0x15b: {  	s16 =	smul.u32 $0x6000, s24;
	s18 =	sadd.s32 $0x1000, s23;
	s22 =	sadd.s32 $0x510, s13  }
0x15c: {  	[hbm4b:s22+s3] =	stream.linear.scatter [tilespmem:s18], [sflag:$0x3], $0x80, $0x38;
	[tilespmem:$0x6200] =	vst v63  }
0x15d: {  	s24 =	sadd.s32 $0x590, s13;
	s23 =	sadd.s32 $0x1400, s23;
	s25 =	sand.u32 $0x380, s20  }
0x15e: {  	[hbm4b:s24+s3] =	stream.linear.scatter [tilespmem:s23], [sflag:$0x3], $0x80, $0x38;
	[tilespmem:$0x6200] =	vst v63  }
0x15f: {  	s16 =	sshra.s32 s16, $0x2;
	s26 =	sadd.s32 $0x320, s13;
	s28 =	sor.u32 s25, s17  }
0x160: {  	[hbm4b:s26+s3] =	stream.linear.scatter [tilespmem:s28], [sflag:$0x3], $0x80, $0x38;
	[tilespmem:$0x6200] =	vst v63  }
0x161: {  	s21 =	spop (v2sf);
	s30 =	sor.u32 $0x400, s28;
	s31 =	sadd.s32 $0x3A0, s13  }
0x162: {  	(v2sf) =	vpush v0, $0xD;
	[hbm4b:s31+s3] =	stream.linear.scatter [tilespmem:s30], [sflag:$0x3], $0x80, $0x38;
	[tilespmem:$0x6200] =	vst v63  }
0x163: {  	s20 =	sadd.s32 $0x420, s13;
	s29 =	sshrl.u32 s21, $0x3;
	s18 =	sadd.s32 $0x800, s28  }
0x164: {  	[hbm4b:s20+s3] =	stream.linear.scatter [tilespmem:s18], [sflag:$0x3], $0x80, $0x38;
	[tilespmem:$0x6200] =	vst v63  }
0x165: {  	s25 =	sadd.s32 $0x520, s13;
	s22 =	sadd.s32 $0xC00, s28;
	s23 =	sadd.s32 $0x4A0, s13  }
0x166: {  	(v2sf) =	vpush v0, $0xE;
	[hbm4b:s23+s3] =	stream.linear.scatter [tilespmem:s22], [sflag:$0x3], $0x80, $0x38;
	[tilespmem:$0x6200] =	vst v63  }
0x167: {  	s17 =	smul.u32 $0x6000, s29;
	s29 =	sand.u32 $0x380, s19;
	s24 =	sadd.s32 $0x1000, s28  }
0x168: {  	[hbm4b:s25+s3] =	stream.linear.scatter [tilespmem:s24], [sflag:$0x3], $0x80, $0x38;
	[tilespmem:$0x6200] =	vst v63  }
0x169: {  	s26 =	sadd.s32 $0x1400, s28;
	s28 =	sadd.s32 $0x5A0, s13;
	s31 =	sor.u32 s29, s16  }
0x16a: {  	[hbm4b:s28+s3] =	stream.linear.scatter [tilespmem:s26], [sflag:$0x3], $0x80, $0x38;
	[tilespmem:$0x6200] =	vst v63  }
0x16b: {  	s17 =	sshra.s32 s17, $0x2;
	s30 =	sadd.s32 $0x330, s13;
	s29 =	sadd.s32 $0x1000, s31  }
0x16c: {  	[hbm4b:s30+s3] =	stream.linear.scatter [tilespmem:s31], [sflag:$0x3], $0x80, $0x38;
	[tilespmem:$0x6200] =	vst v63  }
0x16d: {  	s15 =	sadd.s32 $0x1400, s31;
	s22 =	sor.u32 $0x400, s31;
	s23 =	sadd.s32 $0x3B0, s13  }
0x16e: {  	[hbm4b:s23+s3] =	stream.linear.scatter [tilespmem:s22], [sflag:$0x3], $0x80, $0x38;
	[tilespmem:$0x6200] =	vst v63  }
0x16f: {  	s20 =	sshll.u32 s21, $0x7;
	s24 =	sadd.s32 $0x800, s31;
	s25 =	sadd.s32 $0x430, s13  }
0x170: {  	[hbm4b:s25+s3] =	stream.linear.scatter [tilespmem:s24], [sflag:$0x3], $0x80, $0x38;
	[tilespmem:$0x6200] =	vst v63  }
0x171: {  	s21 =	spop (v2sf);
	s26 =	sadd.s32 $0xC00, s31;
	s28 =	sadd.s32 $0x4B0, s13  }
0x172: {  	[hbm4b:s28+s3] =	stream.linear.scatter [tilespmem:s26], [sflag:$0x3], $0x80, $0x38;
	[tilespmem:$0x6200] =	vst v63  }
0x173: {  	s18 =	sadd.s32 $0x340, s13;
	s19 =	sshrl.u32 s21, $0x3;
	s30 =	sadd.s32 $0x530, s13  }
0x174: {  	[hbm4b:s30+s3] =	stream.linear.scatter [tilespmem:s29], [sflag:$0x3], $0x80, $0x38;
	[tilespmem:$0x6200] =	vst v63  }
0x175: {  	s14 =	spop (v2sf);
	s20 =	sand.u32 $0x380, s20;
	s31 =	sadd.s32 $0x5B0, s13  }
0x176: {  	[hbm4b:s31+s3] =	stream.linear.scatter [tilespmem:s15], [sflag:$0x3], $0x80, $0x38;
	[tilespmem:$0x6200] =	vst v63  }
0x177: {  	s16 =	smul.u32 $0x6000, s19;
	s19 =	sshll.u32 s21, $0x7;
	s17 =	sor.u32 s20, s17  }
0x178: {  	[hbm4b:s18+s3] =	stream.linear.scatter [tilespmem:s17], [sflag:$0x3], $0x80, $0x38;
	[tilespmem:$0x6200] =	vst v63  }
0x179: {  	s20 =	sshrl.u32 s14, $0x3;
	s21 =	sor.u32 $0x400, s17;
	s22 =	sadd.s32 $0x3C0, s13  }
0x17a: {  	(v2sf) =	vpush v0, $0xF;
	[hbm4b:s22+s3] =	stream.linear.scatter [tilespmem:s21], [sflag:$0x3], $0x80, $0x38;
	[tilespmem:$0x6200] =	vst v63  }
0x17b: {  	s14 =	sshll.u32 s14, $0x7;
	s23 =	sadd.s32 $0x800, s17;
	s24 =	sadd.s32 $0x440, s13  }
0x17c: {  	[hbm4b:s24+s3] =	stream.linear.scatter [tilespmem:s23], [sflag:$0x3], $0x80, $0x38;
	[tilespmem:$0x6200] =	vst v63  }
0x17d: {  	s19 =	sand.u32 $0x380, s19;
	s25 =	sadd.s32 $0xC00, s17;
	s26 =	sadd.s32 $0x4C0, s13  }
0x17e: {  	[hbm4b:s26+s3] =	stream.linear.scatter [tilespmem:s25], [sflag:$0x3], $0x80, $0x38;
	[tilespmem:$0x6200] =	vst v63  }
0x17f: {  	s14 =	sand.u32 $0x380, s14;
	s28 =	sadd.s32 $0x1000, s17;
	s29 =	sadd.s32 $0x540, s13  }
0x180: {  	[hbm4b:s29+s3] =	stream.linear.scatter [tilespmem:s28], [sflag:$0x3], $0x80, $0x38;
	[tilespmem:$0x6200] =	vst v63  }
0x181: {  	s16 =	sshra.s32 s16, $0x2;
	s30 =	sadd.s32 $0x1400, s17;
	s31 =	sadd.s32 $0x5C0, s13  }
0x182: {  	[hbm4b:s31+s3] =	stream.linear.scatter [tilespmem:s30], [sflag:$0x3], $0x80, $0x38;
	[tilespmem:$0x6200] =	vst v63  }
0x183: {  	s16 =	sor.u32 s19, s16;
	s18 =	smul.u32 $0x6000, s20;
	s20 =	sadd.s32 $0x350, s13  }
0x184: {  	[hbm4b:s20+s3] =	stream.linear.scatter [tilespmem:s16], [sflag:$0x3], $0x80, $0x38;
	[tilespmem:$0x6200] =	vst v63  }
0x185: {  	s19 =	sadd.s32 $0x1400, s16;
	s23 =	sor.u32 $0x400, s16;
	s24 =	sadd.s32 $0x3D0, s13  }
0x186: {  	[hbm4b:s24+s3] =	stream.linear.scatter [tilespmem:s23], [sflag:$0x3], $0x80, $0x38;
	[tilespmem:$0x6200] =	vst v63  }
0x187: {  	s18 =	sshra.s32 s18, $0x2;
	s25 =	sadd.s32 $0x800, s16;
	s26 =	sadd.s32 $0x450, s13  }
0x188: {  	[hbm4b:s26+s3] =	stream.linear.scatter [tilespmem:s25], [sflag:$0x3], $0x80, $0x38;
	[tilespmem:$0x6200] =	vst v63  }
0x189: {  	s21 =	spop (v2sf);
	s28 =	sadd.s32 $0xC00, s16;
	s29 =	sadd.s32 $0x4D0, s13  }
0x18a: {  	[hbm4b:s29+s3] =	stream.linear.scatter [tilespmem:s28], [sflag:$0x3], $0x80, $0x38;
	[tilespmem:$0x6200] =	vst v63  }
0x18b: {  	s22 =	sshrl.u32 s21, $0x3;
	s30 =	sadd.s32 $0x1000, s16;
	s31 =	sadd.s32 $0x550, s13  }
0x18c: {  	[hbm4b:s31+s3] =	stream.linear.scatter [tilespmem:s30], [sflag:$0x3], $0x80, $0x38;
	[tilespmem:$0x6200] =	vst v63  }
0x18d: {  	s22 =	smul.u32 $0x6000, s22;
	s20 =	sshll.u32 s21, $0x7;
	s21 =	sadd.s32 $0x5D0, s13  }
0x18e: {  	[hbm4b:s21+s3] =	stream.linear.scatter [tilespmem:s19], [sflag:$0x3], $0x80, $0x38;
	[tilespmem:$0x6200] =	vst v63  }
0x18f: {  	s14 =	sor.u32 s14, s18;
	s17 =	sshra.s32 s22, $0x2;
	s22 =	sadd.s32 $0x360, s13  }
0x190: {  	[hbm4b:s22+s3] =	stream.linear.scatter [tilespmem:s14], [sflag:$0x3], $0x80, $0x38;
	[tilespmem:$0x6200] =	vst v63  }
0x191: {  	s23 =	sor.u32 $0x400, s14;
	s24 =	sadd.s32 $0x3E0, s13  }
0x192: {  	[hbm4b:s24+s3] =	stream.linear.scatter [tilespmem:s23], [sflag:$0x3], $0x80, $0x38;
	[tilespmem:$0x6200] =	vst v63  }
0x193: {  	s25 =	sadd.s32 $0x800, s14;
	s26 =	sadd.s32 $0x460, s13  }
0x194: {  	[hbm4b:s26+s3] =	stream.linear.scatter [tilespmem:s25], [sflag:$0x3], $0x80, $0x38;
	[tilespmem:$0x6200] =	vst v63  }
0x195: {  	s28 =	sadd.s32 $0xC00, s14;
	s29 =	sadd.s32 $0x4E0, s13  }
0x196: {  	[hbm4b:s29+s3] =	stream.linear.scatter [tilespmem:s28], [sflag:$0x3], $0x80, $0x38;
	[tilespmem:$0x6200] =	vst v63  }
0x197: {  	s30 =	sadd.s32 $0x1000, s14;
	s31 =	sadd.s32 $0x560, s13  }
0x198: {  	[hbm4b:s31+s3] =	stream.linear.scatter [tilespmem:s30], [sflag:$0x3], $0x80, $0x38;
	[tilespmem:$0x6200] =	vst v63  }
0x199: {  	s18 =	sadd.s32 $0x5E0, s13;
	s19 =	sand.u32 $0x380, s20;
	s14 =	sadd.s32 $0x1400, s14  }
0x19a: {  	[hbm4b:s18+s3] =	stream.linear.scatter [tilespmem:s14], [sflag:$0x3], $0x80, $0x38;
	[tilespmem:$0x6200] =	vst v63  }
0x19b: {  	s20 =	sadd.s32 $0x370, s13;
	s21 =	sor.u32 s19, s17  }
0x19c: {  	[hbm4b:s20+s3] =	stream.linear.scatter [tilespmem:s21], [sflag:$0x3], $0x80, $0x38;
	[tilespmem:$0x6200] =	vst v63  }
0x19d: {  	s22 =	sor.u32 $0x400, s21;
	s23 =	sadd.s32 $0x3F0, s13  }
0x19e: {  	[hbm4b:s23+s3] =	stream.linear.scatter [tilespmem:s22], [sflag:$0x3], $0x80, $0x38;
	[tilespmem:$0x6200] =	vst v63  }
0x19f: {  	s24 =	sadd.s32 $0x800, s21;
	s25 =	sadd.s32 $0x470, s13  }
0x1a0: {  	[hbm4b:s25+s3] =	stream.linear.scatter [tilespmem:s24], [sflag:$0x3], $0x80, $0x38;
	[tilespmem:$0x6200] =	vst v63  }
0x1a1: {  	s10 =	sadd.s32 $0x600, s10;
	s26 =	sadd.s32 $0xC00, s21;
	s28 =	sadd.s32 $0x4F0, s13  }
0x1a2: {  	[hbm4b:s28+s3] =	stream.linear.scatter [tilespmem:s26], [sflag:$0x3], $0x80, $0x38;
	[tilespmem:$0x6200] =	vst v63  }
0x1a3: {  	p0 =	sne.s32 s10, $0xC000;
	s29 =	sadd.s32 $0x1000, s21;
	s30 =	sadd.s32 $0x570, s13  }
0x1a4: {  	[hbm4b:s30+s3] =	stream.linear.scatter [tilespmem:s29], [sflag:$0x3], $0x80, $0x38;
	[tilespmem:$0x6200] =	vst v63  }
.Ltmp0:
0x1a5: {  	s12 =	sadd.s32 $0x1, s12;
	(pc) =	sbr.rel @p0 .LBB2_2-.Ltmp0, $4  }
0x1a6: {  	p1 =	slt.u32 s12, $0x10;
	s31 =	sadd.s32 $0x1400, s21;
	s13 =	sadd.s32 $0x5F0, s13  }
0x1a7: {  	[hbm4b:s13+s3] =	stream.linear.scatter [tilespmem:s31], [sflag:$0x3], $0x80, $0x38;
	[tilespmem:$0x6200] =	vst v63  }
0x1a8: {  	s13 =	simm.s32 @!p1 $0x3  }
0x1a9: {  	s11 =	sadd.s32 $0x10, s11;
	_ =	swait.ge @!p1 [sflag:s13], $0x3000  }
0x1aa: {  	[sflag:s13] =	ssyncset.done @!p1 $0x0  }
0x1ab: {  	[sflag:s13] =	ssyncadd.s32 @!p1 $0xFFFFD000  }
0x1ac: {  	_ =	swait.ge [sflag:s8], $0x3000  }
0x1ad: {  	[sflag:s8] =	ssyncset.done $0x0  }
0x1ae: {  	[sflag:s8] =	ssyncadd.s32 $0xFFFFD000  }
0x1af: {  	_ =	swait.ge [sflag:s8], $0x3000  }
0x1b0: {  	[sflag:s8] =	ssyncset.done $0x0  }
0x1b1: {  	[sflag:s8] =	ssyncadd.s32 $0xFFFFD000  }
0x1b2: {  	_ =	swait.ge [sflag:s8], $0x3000  }
0x1b3: {  	[sflag:s8] =	ssyncset.done $0x0  }
0x1b4: {  	[sflag:s8] =	ssyncadd.s32 $0xFFFFD000  }
0x1b5: {  	_ =	swait.ge [sflag:s8], $0x3000  }
0x1b6: {  	[sflag:s8] =	ssyncset.done $0x0  }
0x1b7: {  	[sflag:s8] =	ssyncadd.s32 $0xFFFFD000  }
0x1b8: {  	_ =	swait.ge [sflag:s8], $0x3000  }
0x1b9: {  	[sflag:s8] =	ssyncset.done $0x0  }
0x1ba: {  	[sflag:s8] =	ssyncadd.s32 $0xFFFFD000  }
0x1bb: {  	_ =	swait.ge [sflag:s8], $0x3000  }
0x1bc: {  	[sflag:s8] =	ssyncset.done $0x0  }
0x1bd: {  	[sflag:s8] =	ssyncadd.s32 $0xFFFFD000  }
0x1be: {  	_ =	swait.ge [sflag:s8], $0x3000  }
0x1bf: {  	[sflag:s8] =	ssyncset.done $0x0  }
0x1c0: {  	[sflag:s8] =	ssyncadd.s32 $0xFFFFD000  }
0x1c1: {  	_ =	swait.ge [sflag:s8], $0x3000  }
0x1c2: {  	[sflag:s8] =	ssyncset.done $0x0  }
0x1c3: {  	[sflag:s8] =	ssyncadd.s32 $0xFFFFD000  }
0x1c4: {  	_ =	swait.ge [sflag:s8], $0x3000  }
0x1c5: {  	[sflag:s8] =	ssyncset.done $0x0  }
0x1c6: {  	[sflag:s8] =	ssyncadd.s32 $0xFFFFD000  }
0x1c7: {  	_ =	swait.ge [sflag:s8], $0x3000  }
0x1c8: {  	[sflag:s8] =	ssyncset.done $0x0  }
0x1c9: {  	[sflag:s8] =	ssyncadd.s32 $0xFFFFD000  }
0x1ca: {  	_ =	swait.ge [sflag:s8], $0x3000  }
0x1cb: {  	[sflag:s8] =	ssyncset.done $0x0  }
0x1cc: {  	[sflag:s8] =	ssyncadd.s32 $0xFFFFD000  }
0x1cd: {  	_ =	swait.ge [sflag:s8], $0x3000  }
0x1ce: {  	[sflag:s8] =	ssyncset.done $0x0  }
0x1cf: {  	[sflag:s8] =	ssyncadd.s32 $0xFFFFD000  }
0x1d0: {  	_ =	swait.ge [sflag:s8], $0x3000  }
0x1d1: {  	[sflag:s8] =	ssyncset.done $0x0  }
0x1d2: {  	[sflag:s8] =	ssyncadd.s32 $0xFFFFD000  }
0x1d3: {  	_ =	swait.ge [sflag:s8], $0x3000  }
0x1d4: {  	[sflag:s8] =	ssyncset.done $0x0  }
0x1d5: {  	s9 =	sadd.s32 $0x1, s9;
	[sflag:s8] =	ssyncadd.s32 $0xFFFFD000  }
0x1d6: {  	p0 =	sne.s32 s9, s5;
	_ =	swait.ge [sflag:s8], $0x3000  }
.Ltmp1:
0x1d7: {  	[sflag:s8] =	ssyncset.done $0x0;
	(pc) =	sbr.rel @p0 .LBB2_1-.Ltmp1, $4  }
0x1d8: {  	[sflag:s8] =	ssyncadd.s32 $0xFFFFD000  }
0x1d9: {  	_ =	swait.ge [sflag:s8], $0x3000  }
0x1da: {  	[sflag:s8] =	ssyncset.done $0x0  }
0x1db: {  	[sflag:s8] =	ssyncadd.s32 $0xFFFFD000  }
0x1dc: {  	_ =	sfence.sel $0x180000  }
0x1dd: {  	[bflag:$0x0] =	sbarrier.arrive $0xFFFF  }
0x1de: {  	p0 =	sne.s32 s0, $0x0;
	_ =	strace $0x90000047  }
0x1df: {  	s0 =	sadd.s32 @!p0 $0x100000, s2;
	[bflag:$0x2] =	sbarrier.arrive $0xFFFF  }
0x1e0: {  	[sflag:s0] =	ssyncadd.tile.s32 @!p0 $0x1;
	_ =	shalt  }
.Lfunc_end2:
_tile_overlayer_lowered:
.L_overlay_start_2:
0x1e1: {  	(tag) =	ssettag $0x2  }
0x1e2: {  	s0 =	rddreg [dreg:$0x0];
	s2 =	stileid.u32  }
0x1e3: {  	s1 =	rddreg [dreg:$0x1];
	p0 =	sne.s32 s2, $0x0  }
0x1e4: {  	s3 =	rddreg [dreg:$0x2];
	[bflag:$0x3] =	sbarrier.arrive $0xFFFF;
	s2 =	simm.s32 @!p0 $0x1C04  }
0x1e5: {  	[timem:s3], [sflag:s2] =	dma.local @!p0 [hbm:s0], s1  }
0x1e6: {  	s0 =	simm.s32 @!p0 $0x4  }
0x1e7: {  	_ =	swait.ge @!p0 [sflag:s0], s1  }
0x1e8: {  	s1 =	ssub.s32 @!p0 $0x0, s1;
	[sflag:s0] =	ssyncset.done @!p0 $0x0  }
0x1e9: {  	[sflag:s0] =	ssyncadd.s32 @!p0 s1  }
0x1ea: {  	[bflag:$0x3] =	sbarrier.arrive $0xFFFF  }
0x1eb: {  	_ =	shalt  }

</sc_bundles>
